<compile_context>
chip_gen: v7x
topology: tpu7x:2x2x1
jax: 0.10.2.dev20260603
libtpu: 0.0.44.dev20260713+nightly
codegen_flags: <defaults>
</compile_context>

<pallas_src>
import functools

import jax
import jax.numpy as jnp
from jax import lax
from jax.experimental import pallas as pl
from jax.experimental.pallas import tpu as pltpu
from jax.experimental.pallas import tpu_sc as plsc

N = 10000
E = 320000
D = 128
RADIAL = 32
HID = 32
TW = 48
MW = 16
R2D = E // 128
NC = 2
NS = 16
NW = NC * NS
TRIP = (R2D + NW - 1) // NW
NPS = N // NS
EB = 4000
NB = 1000


def _pre_body(x_ref, w_ref, o_ref):
    o_ref[...] = jnp.dot(x_ref[...], w_ref[...],
                         preferred_element_type=jnp.float32)


def _pre_call(x, wij):
    return pl.pallas_call(
        _pre_body,
        out_shape=jax.ShapeDtypeStruct((N, 2 * HID), jnp.float32),
    )(x, wij)


GCH = 256
GR = E // GCH
GTRIP = (GR + NW - 1) // NW


def _gather_body(tdst, tsrc, dsti, srci, gsum,
                 idx_d0, idx_d1, idx_s0, idx_s1,
                 rows_d0, rows_d1, rows_s0, rows_s1,
                 sem_d0, sem_d1, sem_s0, sem_s1):
    cid = lax.axis_index("c")
    sid = lax.axis_index("s")
    wid = sid * NC + cid
    idx_d = (idx_d0, idx_d1)
    idx_s = (idx_s0, idx_s1)
    rows_d = (rows_d0, rows_d1)
    rows_s = (rows_s0, rows_s1)
    sem_d = (sem_d0, sem_d1)
    sem_s = (sem_s0, sem_s1)

    def issue(g, b):
        pltpu.sync_copy(dsti.at[g], idx_d[b])
        pltpu.async_copy(tdst.at[idx_d[b]], rows_d[b], sem_d[b])
        pltpu.sync_copy(srci.at[g], idx_s[b])
        pltpu.async_copy(tsrc.at[idx_s[b]], rows_s[b], sem_s[b])

    def process(g, b):
        pltpu.make_async_copy(tdst.at[idx_d[b]], rows_d[b], sem_d[b]).wait()
        pltpu.make_async_copy(tsrc.at[idx_s[b]], rows_s[b], sem_s[b]).wait()

        def add_row(j, c):
            for k in range(TW // 16):
                sl = pl.ds(16 * k, 16)
                rows_d[b][j, sl] = rows_d[b][j, sl] + rows_s[b][j, sl]
            return c

        lax.fori_loop(0, GCH, add_row, 0)
        pltpu.sync_copy(rows_d[b], gsum.at[pl.ds(g * GCH, GCH)])

    issue(wid, 0)

    def pair(i, carry):
        g0 = wid + (2 * i) * NW
        g1 = g0 + NW
        g2 = g0 + 2 * NW

        @pl.when(g1 < GR)
        def _():
            issue(g1, 1)

        @pl.when(g0 < GR)
        def _():
            process(g0, 0)

        @pl.when(g2 < GR)
        def _():
            issue(g2, 0)

        @pl.when(g1 < GR)
        def _():
            process(g1, 1)

        return carry

    lax.fori_loop(0, (GTRIP + 1) // 2, pair, 0)


@functools.cache
def _gather_call():
    return pl.kernel(
        _gather_body,
        out_type=jax.ShapeDtypeStruct((E, TW), jnp.float32),
        mesh=plsc.VectorSubcoreMesh(core_axis_name="c", subcore_axis_name="s",
                                    num_cores=NC, num_subcores=NS),
        scratch_types=[
            pltpu.VMEM((GCH,), jnp.int32),
            pltpu.VMEM((GCH,), jnp.int32),
            pltpu.VMEM((GCH,), jnp.int32),
            pltpu.VMEM((GCH,), jnp.int32),
            pltpu.VMEM((GCH, TW), jnp.float32),
            pltpu.VMEM((GCH, TW), jnp.float32),
            pltpu.VMEM((GCH, TW), jnp.float32),
            pltpu.VMEM((GCH, TW), jnp.float32),
            pltpu.SemaphoreType.DMA,
            pltpu.SemaphoreType.DMA,
            pltpu.SemaphoreType.DMA,
            pltpu.SemaphoreType.DMA,
        ],
        compiler_params=pltpu.CompilerParams(use_tc_tiling_on_sc=False),
    )


def _edge_body(gs_ref, w1c, b1r, w2r, b2r, cen, msg):
    gsum = gs_ref[...]
    rel = gsum[:, HID:HID + 4]
    d = jnp.sqrt(jnp.sum(rel * rel, axis=1, keepdims=True) + 1e-12)
    diff = d - cen[...]
    radial = jnp.exp(-10.0 * diff * diff)
    act = (gsum[:, 0:HID]
           + jnp.dot(radial, w1c[...], preferred_element_type=jnp.float32)
           + b1r[...])
    h = act * jax.nn.sigmoid(act)
    m = jnp.dot(h, w2r[...], preferred_element_type=jnp.float32) + b2r[...]
    relrep = jnp.concatenate([rel, rel, rel, rel], axis=1)
    msg[...] = m * relrep


def _edge_call(gsum, w1c, b1r, w2r, b2r, cen):
    full = lambda shape: pl.BlockSpec(shape, lambda i: (0, 0))
    return pl.pallas_call(
        _edge_body,
        grid=(E // EB,),
        in_specs=[
            pl.BlockSpec((EB, TW), lambda i: (i, 0)),
            full((RADIAL, HID)),
            full((1, HID)),
            full((HID, MW)),
            full((1, MW)),
            full((1, RADIAL)),
        ],
        out_specs=pl.BlockSpec((EB, MW), lambda i: (i, 0)),
        out_shape=jax.ShapeDtypeStruct((E, MW), jnp.float32),
    )(gsum, w1c, b1r, w2r, b2r, cen)


def _scatter_body(msg, dsti, zer, out, acc, idx_v, msg_v):
    cid = lax.axis_index("c")
    sid = lax.axis_index("s")
    wid = sid * NC + cid

    pltpu.sync_copy(zer.at[pl.ds(sid * NPS, NPS)],
                    acc.at[pl.ds(sid * NPS, NPS)])
    plsc.subcore_barrier()

    def body(i, carry):
        r = wid + i * NW

        @pl.when(r < R2D)
        def _():
            pltpu.sync_copy(dsti.at[r], idx_v)
            pltpu.sync_copy(msg.at[pl.ds(r * 128, 128)], msg_v)
            pltpu.sync_copy(msg_v, acc.at[idx_v], add=True)

        return carry

    lax.fori_loop(0, TRIP, body, 0)
    plsc.subcore_barrier()
    pltpu.sync_copy(acc.at[pl.ds(sid * NPS, NPS)],
                    out.at[cid, pl.ds(sid * NPS, NPS)])


@functools.cache
def _scatter_call():
    return pl.kernel(
        _scatter_body,
        out_type=jax.ShapeDtypeStruct((NC, N, MW), jnp.float32),
        mesh=plsc.VectorSubcoreMesh(core_axis_name="c", subcore_axis_name="s",
                                    num_cores=NC, num_subcores=NS),
        scratch_types=[
            pltpu.VMEM_SHARED((N, MW), jnp.float32),
            pltpu.VMEM((128,), jnp.int32),
            pltpu.VMEM((128, MW), jnp.float32),
        ],
        compiler_params=pltpu.CompilerParams(use_tc_tiling_on_sc=False),
    )


def _fin_body(p0, p1, o):
    v = p0[...] + p1[...]
    eps = 1e-8

    def nrm(u):
        return u / (jnp.sqrt(jnp.sum(u * u, axis=1, keepdims=True)) + eps)

    v1 = v[:, 0:4]
    v2 = v[:, 4:8]
    v3 = v[:, 8:12]
    u1 = nrm(v1)
    v2 = v2 - jnp.sum(u1 * v2, axis=1, keepdims=True) * u1
    u2 = nrm(v2)
    v3 = v3 - jnp.sum(u1 * v3, axis=1, keepdims=True) * u1
    v3 = v3 - jnp.sum(u2 * v3, axis=1, keepdims=True) * u2
    u3 = nrm(v3)
    o[...] = jnp.concatenate([u1, u2, u3], axis=1)


def _fin_call(p0, p1):
    return pl.pallas_call(
        _fin_body,
        grid=(N // NB,),
        in_specs=[
            pl.BlockSpec((NB, MW), lambda i: (i, 0)),
            pl.BlockSpec((NB, MW), lambda i: (i, 0)),
        ],
        out_specs=pl.BlockSpec((NB, 12), lambda i: (i, 0)),
        out_shape=jax.ShapeDtypeStruct((N, 12), jnp.float32),
    )(p0, p1)


def kernel(x, pos, edge_index, batch, W1, b1, W2, b2):
    f32 = jnp.float32
    wij = jnp.concatenate([W1[:D], W1[D:2 * D]], axis=1)
    pre = _pre_call(x, wij)
    zpad = jnp.zeros((N, TW - HID - 4), f32)
    tdst = jnp.concatenate([pre[:, :HID], -pos, zpad], axis=1)
    tsrc = jnp.concatenate([pre[:, HID:], pos, zpad], axis=1)
    dsti = edge_index[1].reshape(R2D, 128)
    dstg = edge_index[1].reshape(GR, GCH)
    srcg = edge_index[0].reshape(GR, GCH)

    gsum = _gather_call()(tdst, tsrc, dstg, srcg)

    w1c = W1[2 * D:]
    w2r = jnp.concatenate([jnp.repeat(W2, 4, axis=1),
                           jnp.zeros((HID, MW - 12), f32)], axis=1)
    b2r = jnp.concatenate([jnp.repeat(b2, 4), jnp.zeros((MW - 12,), f32)])
    cen = jnp.linspace(0.0, 5.0, RADIAL).astype(f32)[None, :]

    msg = _edge_call(gsum, w1c, b1[None, :], w2r, b2r[None, :], cen)

    zer = jnp.zeros((N, MW), f32)
    partials = _scatter_call()(msg, dsti, zer)

    frames = _fin_call(partials[0], partials[1])
    return frames.reshape(N, 3, 4)

# --- scband reference (transcript-rebuilt; emitter-appended) ---
"""Pipeline reference for scband-wrapped-learned-lframes-53695681134784 (READ-ONLY COPY).

The authoritative reference and input builder live on the scoring server;
editing this copy changes nothing except your own understanding.
"""

import jax, jax.numpy as jnp
import numpy as np

N = 10000
E = 320000
D = 128
RADIAL = 32
HID = 32
NUM_VECS = 3
IN_CH = 2 * D + RADIAL


def setup_inputs(seed: int = 0) -> dict:
    key = jax.random.key(seed)
    ks = jax.random.split(key, 8)
    x = jax.random.normal(ks[0], (N, D), dtype=jnp.float32)
    pos = jax.random.normal(ks[1], (N, 4), dtype=jnp.float32)
    edge_index = jax.random.randint(ks[2], (2, E), 0, N, dtype=jnp.int32)
    batch = jnp.zeros((N,), dtype=jnp.int32)
    W1 = jax.random.normal(ks[3], (IN_CH, HID), dtype=jnp.float32) / np.sqrt(IN_CH)
    b1 = jnp.zeros((HID,), dtype=jnp.float32)
    W2 = jax.random.normal(ks[4], (HID, NUM_VECS), dtype=jnp.float32) / np.sqrt(HID)
    b2 = jnp.zeros((NUM_VECS,), dtype=jnp.float32)
    return {"x": x, "pos": pos, "edge_index": edge_index, "batch": batch,
            "W1": W1, "b1": b1, "W2": W2, "b2": b2}


def _gram_schmidt(vecs):
    # vecs: [N, 3, 4] -> orthonormal frames [N, 3, 4]
    eps = 1e-8
    def _norm(v):
        return v / (jnp.linalg.norm(v, axis=-1, keepdims=True) + eps)
    v1 = vecs[:, 0]
    u1 = _norm(v1)
    v2 = vecs[:, 1]
    v2 = v2 - jnp.sum(u1 * v2, axis=-1, keepdims=True) * u1
    u2 = _norm(v2)
    v3 = vecs[:, 2]
    v3 = v3 - jnp.sum(u1 * v3, axis=-1, keepdims=True) * u1
    v3 = v3 - jnp.sum(u2 * v3, axis=-1, keepdims=True) * u2
    u3 = _norm(v3)
    return jnp.stack([u1, u2, u3], axis=1)


def reference(x, pos, edge_index, batch, W1, b1, W2, b2):
    src = edge_index[0]  # j (source / sender)
    dst = edge_index[1]  # i (target / receiver, aggregation index)
    x_j = jnp.take(x, src, axis=0)
    x_i = jnp.take(x, dst, axis=0)
    pos_j = jnp.take(pos, src, axis=0)
    pos_i = jnp.take(pos, dst, axis=0)
    rel = pos_j - pos_i  # [E, 4]
    # radial embedding (Gaussian RBF on euclidean distance of 4-vector diff)
    d = jnp.sqrt(jnp.sum(rel * rel, axis=-1) + 1e-12)
    centers = jnp.linspace(0.0, 5.0, RADIAL)
    radial = jnp.exp(-10.0 * (d[:, None] - centers[None, :]) ** 2)  # [E, RADIAL]
    # message MLP: concat_receiver=True -> cat([x_i, x_j, radial])
    inp = jnp.concatenate([x_i, x_j, radial], axis=-1)  # [E, IN_CH]
    h = jax.nn.silu(inp @ W1 + b1)
    mlp_out = h @ W2 + b2  # [E, 3]
    # outer product with relative 4-vector: einsum('ij,ik->ijk')
    msg = (mlp_out[:, :, None] * rel[:, None, :]).reshape(E, NUM_VECS * 4)
    # aggregate (sum) at receiver, then reshape to [N, 3, 4]
    vecs = jax.ops.segment_sum(msg, dst, num_segments=N).reshape(N, NUM_VECS, 4)
    frames = _gram_schmidt(vecs)
    return frames

if __name__ == "__main__":
    import jax
    _d = setup_inputs()
    print(jax.jit(kernel)(*tuple(_d.values())))

</pallas_src>

<mosaic_0001>
#map = affine_map<(d0, d1) -> (0, 0)>
#map1 = affine_map<(d0, d1) -> (0, 0, 0)>
module attributes {stable_mosaic.version = 14 : i64} {
  func.func @_scatter_body(%arg0: i32, %arg1: i32, %arg2: memref<320000x16xf32, #tpu.memory_space<hbm>>, %arg3: memref<2500x128xi32, #tpu.memory_space<hbm>>, %arg4: memref<10000x16xf32, #tpu.memory_space<hbm>>, %arg5: memref<2x10000x16xf32, #tpu.memory_space<hbm>>, %arg6: memref<10000x16xf32, #tpu.memory_space<vmem_shared>>, %arg7: memref<128xi32, #tpu.memory_space<vmem>>, %arg8: memref<128x16xf32, #tpu.memory_space<vmem>>) attributes {dimension_semantics = [#tpu.dimension_semantics<core_parallel>, #tpu.dimension_semantics<subcore_parallel>], iteration_bounds = array<i64: 2, 16>, scalar_prefetch = 0 : i64, scratch_operands = 3 : i64, tpu.core_type = #tpu.core_type<sc_vector_subcore>, window_params = [{transform_indices = #map}, {transform_indices = #map}, {transform_indices = #map}, {transform_indices = #map1}]} {
    %mul3A = arith.constant 2 : i32
    %mul3A_0 = arith.muli %arg1, %mul3A : i32
    %add3A = arith.addi %mul3A_0, %arg0 : i32
    %mul3A_1 = arith.constant 625 : i32
    %mul3A_2 = arith.muli %arg1, %mul3A_1 : i32
    %mul3A_3 = arith.constant 625 : i32
    %mul3A_4 = arith.muli %arg1, %mul3A_3 : i32
    "tpu.region"() ({
      %run_scoped3A = tpu.sem_alloc : memref<!tpu.dma_semaphore, #tpu.memory_space<semaphore_mem>>
      %dma_start3A = arith.constant 0 : i32
      %dma_start3A_15 = tpu.memref_slice %arg6[%mul3A_4, %dma_start3A] : memref<10000x16xf32, #tpu.memory_space<vmem_shared>> -> memref<625x16xf32, #tpu.memory_space<vmem_shared>>
      %dma_start3A_16 = arith.constant 0 : i32
      %dma_start3A_17 = tpu.memref_slice %arg4[%mul3A_2, %dma_start3A_16] : memref<10000x16xf32, #tpu.memory_space<hbm>> -> memref<625x16xf32, #tpu.memory_space<hbm>>
      tpu.enqueue_dma source(%dma_start3A_17 : memref<625x16xf32, #tpu.memory_space<hbm>>) target(%dma_start3A_15 : memref<625x16xf32, #tpu.memory_space<vmem_shared>>) target_semaphore(%run_scoped3A : memref<!tpu.dma_semaphore, #tpu.memory_space<semaphore_mem>>)
      %dma_wait3A = arith.constant 0 : i32
      %dma_wait3A_18 = tpu.memref_slice %arg6[%mul3A_4, %dma_wait3A] : memref<10000x16xf32, #tpu.memory_space<vmem_shared>> -> memref<625x16xf32, #tpu.memory_space<vmem_shared>>
      %dma_wait3A_19 = arith.constant 0 : i32
      %dma_wait3A_20 = tpu.memref_slice %arg4[%mul3A_2, %dma_wait3A_19] : memref<10000x16xf32, #tpu.memory_space<hbm>> -> memref<625x16xf32, #tpu.memory_space<hbm>>
      tpu.wait_dma2 semaphore(%run_scoped3A : memref<!tpu.dma_semaphore, #tpu.memory_space<semaphore_mem>>) src(%dma_wait3A_20 : memref<625x16xf32, #tpu.memory_space<hbm>>) dst(%dma_wait3A_18 : memref<625x16xf32, #tpu.memory_space<vmem_shared>>)
      tpu.yield
    }) : () -> ()
    %barrier3A = arith.constant 0 : index
    tpu.barrier barrier_id(%barrier3A)
    %scan3A = arith.constant 0 : i32
    %scan3A_5 = arith.constant 0 : i32
    %scan3A_6 = arith.constant 79 : i32
    %scan3A_7 = arith.addi %scan3A_5, %scan3A_6 : i32
    %scan3A_8 = arith.constant 1 : i32
    scf.for %scan3A_15 = %scan3A_5 to %scan3A_7 step %scan3A_8  : i32 {
      %mul3A_16 = arith.constant 32 : i32
      %mul3A_17 = arith.muli %scan3A_15, %mul3A_16 : i32
      %add3A_18 = arith.addi %add3A, %mul3A_17 : i32
      %lt3A = arith.constant 2500 : i32
      %lt3A_19 = arith.cmpi slt, %add3A_18, %lt3A : i32
      %convert_element_type3A = arith.extui %lt3A_19 : i1 to i32
      %cond3A = arith.constant 0 : i32
      %cond3A_20 = arith.cmpi ne, %convert_element_type3A, %cond3A : i32
      scf.if %cond3A_20 {
        "tpu.region"() ({
          %run_scoped3A = tpu.sem_alloc : memref<!tpu.dma_semaphore, #tpu.memory_space<semaphore_mem>>
          %dma_start3A = arith.constant 0 : i32
          %dma_start3A_23 = tpu.memref_slice %arg3[%add3A_18, %dma_start3A] : memref<2500x128xi32, #tpu.memory_space<hbm>> -> memref<1x128xi32, #tpu.memory_space<hbm>>
          %dma_start3A_24 = tpu.memref_squeeze %dma_start3A_23 : memref<1x128xi32, #tpu.memory_space<hbm>> -> memref<128xi32, #tpu.memory_space<hbm>>
          %dma_start3A_25 = arith.constant 0 : i32
          %dma_start3A_26 = tpu.memref_slice %arg3[%add3A_18, %dma_start3A_25] : memref<2500x128xi32, #tpu.memory_space<hbm>> -> memref<1x128xi32, #tpu.memory_space<hbm>>
          %dma_start3A_27 = tpu.memref_squeeze %dma_start3A_26 : memref<1x128xi32, #tpu.memory_space<hbm>> -> memref<128xi32, #tpu.memory_space<hbm>>
          tpu.enqueue_dma source(%dma_start3A_27 : memref<128xi32, #tpu.memory_space<hbm>>) target(%arg7 : memref<128xi32, #tpu.memory_space<vmem>>) target_semaphore(%run_scoped3A : memref<!tpu.dma_semaphore, #tpu.memory_space<semaphore_mem>>)
          %dma_wait3A = arith.constant 0 : i32
          %dma_wait3A_28 = tpu.memref_slice %arg3[%add3A_18, %dma_wait3A] : memref<2500x128xi32, #tpu.memory_space<hbm>> -> memref<1x128xi32, #tpu.memory_space<hbm>>
          %dma_wait3A_29 = tpu.memref_squeeze %dma_wait3A_28 : memref<1x128xi32, #tpu.memory_space<hbm>> -> memref<128xi32, #tpu.memory_space<hbm>>
          %dma_wait3A_30 = arith.constant 0 : i32
          %dma_wait3A_31 = tpu.memref_slice %arg3[%add3A_18, %dma_wait3A_30] : memref<2500x128xi32, #tpu.memory_space<hbm>> -> memref<1x128xi32, #tpu.memory_space<hbm>>
          %dma_wait3A_32 = tpu.memref_squeeze %dma_wait3A_31 : memref<1x128xi32, #tpu.memory_space<hbm>> -> memref<128xi32, #tpu.memory_space<hbm>>
          tpu.wait_dma2 semaphore(%run_scoped3A : memref<!tpu.dma_semaphore, #tpu.memory_space<semaphore_mem>>) src(%dma_wait3A_32 : memref<128xi32, #tpu.memory_space<hbm>>) dst(%arg7 : memref<128xi32, #tpu.memory_space<vmem>>)
          tpu.yield
        }) : () -> ()
        %mul3A_21 = arith.constant 128 : i32
        %mul3A_22 = arith.muli %add3A_18, %mul3A_21 : i32
        "tpu.region"() ({
          %run_scoped3A = tpu.sem_alloc : memref<!tpu.dma_semaphore, #tpu.memory_space<semaphore_mem>>
          %dma_start3A = arith.constant 0 : i32
          %dma_start3A_23 = tpu.memref_slice %arg2[%mul3A_22, %dma_start3A] : memref<320000x16xf32, #tpu.memory_space<hbm>> -> memref<128x16xf32, #tpu.memory_space<hbm>>
          %dma_start3A_24 = arith.constant 0 : i32
          %dma_start3A_25 = tpu.memref_slice %arg2[%mul3A_22, %dma_start3A_24] : memref<320000x16xf32, #tpu.memory_space<hbm>> -> memref<128x16xf32, #tpu.memory_space<hbm>>
          tpu.enqueue_dma source(%dma_start3A_25 : memref<128x16xf32, #tpu.memory_space<hbm>>) target(%arg8 : memref<128x16xf32, #tpu.memory_space<vmem>>) target_semaphore(%run_scoped3A : memref<!tpu.dma_semaphore, #tpu.memory_space<semaphore_mem>>)
          %dma_wait3A = arith.constant 0 : i32
          %dma_wait3A_26 = tpu.memref_slice %arg2[%mul3A_22, %dma_wait3A] : memref<320000x16xf32, #tpu.memory_space<hbm>> -> memref<128x16xf32, #tpu.memory_space<hbm>>
          %dma_wait3A_27 = arith.constant 0 : i32
          %dma_wait3A_28 = tpu.memref_slice %arg2[%mul3A_22, %dma_wait3A_27] : memref<320000x16xf32, #tpu.memory_space<hbm>> -> memref<128x16xf32, #tpu.memory_space<hbm>>
          tpu.wait_dma2 semaphore(%run_scoped3A : memref<!tpu.dma_semaphore, #tpu.memory_space<semaphore_mem>>) src(%dma_wait3A_28 : memref<128x16xf32, #tpu.memory_space<hbm>>) dst(%arg8 : memref<128x16xf32, #tpu.memory_space<vmem>>)
          tpu.yield
        }) : () -> ()
        "tpu.region"() ({
          %run_scoped3A = tpu.sem_alloc : memref<!tpu.dma_semaphore, #tpu.memory_space<semaphore_mem>>
          %dma_start3A = arith.constant 0 : i32
          %dma_start3A_23 = arith.constant 0 : i32
          %dma_start3A_24 = tpu.memref_slice %arg6[%dma_start3A, %dma_start3A_23] : memref<10000x16xf32, #tpu.memory_space<vmem_shared>> -> memref<10000x16xf32, #tpu.memory_space<vmem_shared>>
          tpu.enqueue_indirect_dma source(%arg8 : memref<128x16xf32, #tpu.memory_space<vmem>>) target(%dma_start3A_24 : memref<10000x16xf32, #tpu.memory_space<vmem_shared>>) offsets(%arg7 : memref<128xi32, #tpu.memory_space<vmem>>) semaphore(%run_scoped3A : memref<!tpu.dma_semaphore, #tpu.memory_space<semaphore_mem>>) {add = true}
          %dma_wait3A = arith.constant 0 : i32
          %dma_wait3A_25 = arith.constant 0 : i32
          %dma_wait3A_26 = tpu.memref_slice %arg6[%dma_wait3A, %dma_wait3A_25] : memref<10000x16xf32, #tpu.memory_space<vmem_shared>> -> memref<10000x16xf32, #tpu.memory_space<vmem_shared>>
          tpu.wait_indirect_dma semaphore(%run_scoped3A : memref<!tpu.dma_semaphore, #tpu.memory_space<semaphore_mem>>) src(%arg8 : memref<128x16xf32, #tpu.memory_space<vmem>>) dst(%dma_wait3A_26 : memref<10000x16xf32, #tpu.memory_space<vmem_shared>>)
          tpu.yield
        }) : () -> ()
      } else {
      }
    }
    %scan3A_9 = arith.constant 79 : i32
    %barrier3A_10 = arith.constant 0 : index
    tpu.barrier barrier_id(%barrier3A_10)
    %mul3A_11 = arith.constant 625 : i32
    %mul3A_12 = arith.muli %arg1, %mul3A_11 : i32
    %mul3A_13 = arith.constant 625 : i32
    %mul3A_14 = arith.muli %arg1, %mul3A_13 : i32
    "tpu.region"() ({
      %run_scoped3A = tpu.sem_alloc : memref<!tpu.dma_semaphore, #tpu.memory_space<semaphore_mem>>
      %dma_start3A = arith.constant 0 : i32
      %dma_start3A_15 = tpu.memref_slice %arg5[%arg0, %mul3A_14, %dma_start3A] : memref<2x10000x16xf32, #tpu.memory_space<hbm>> -> memref<1x625x16xf32, #tpu.memory_space<hbm>>
      %dma_start3A_16 = tpu.memref_squeeze %dma_start3A_15 : memref<1x625x16xf32, #tpu.memory_space<hbm>> -> memref<625x16xf32, #tpu.memory_space<hbm>>
      %dma_start3A_17 = arith.constant 0 : i32
      %dma_start3A_18 = tpu.memref_slice %arg6[%mul3A_12, %dma_start3A_17] : memref<10000x16xf32, #tpu.memory_space<vmem_shared>> -> memref<625x16xf32, #tpu.memory_space<vmem_shared>>
      tpu.enqueue_dma source(%dma_start3A_18 : memref<625x16xf32, #tpu.memory_space<vmem_shared>>) target(%dma_start3A_16 : memref<625x16xf32, #tpu.memory_space<hbm>>) target_semaphore(%run_scoped3A : memref<!tpu.dma_semaphore, #tpu.memory_space<semaphore_mem>>)
      %dma_wait3A = arith.constant 0 : i32
      %dma_wait3A_19 = tpu.memref_slice %arg5[%arg0, %mul3A_14, %dma_wait3A] : memref<2x10000x16xf32, #tpu.memory_space<hbm>> -> memref<1x625x16xf32, #tpu.memory_space<hbm>>
      %dma_wait3A_20 = tpu.memref_squeeze %dma_wait3A_19 : memref<1x625x16xf32, #tpu.memory_space<hbm>> -> memref<625x16xf32, #tpu.memory_space<hbm>>
      %dma_wait3A_21 = arith.constant 0 : i32
      %dma_wait3A_22 = tpu.memref_slice %arg6[%mul3A_12, %dma_wait3A_21] : memref<10000x16xf32, #tpu.memory_space<vmem_shared>> -> memref<625x16xf32, #tpu.memory_space<vmem_shared>>
      tpu.wait_dma2 semaphore(%run_scoped3A : memref<!tpu.dma_semaphore, #tpu.memory_space<semaphore_mem>>) src(%dma_wait3A_22 : memref<625x16xf32, #tpu.memory_space<vmem_shared>>) dst(%dma_wait3A_20 : memref<625x16xf32, #tpu.memory_space<hbm>>)
      tpu.yield
    }) : () -> ()
    return
  }
}

#map = affine_map<(d0, d1) -> (0, 0)>
module attributes {stable_mosaic.version = 14 : i64} {
  func.func @_gather_body(%arg0: i32, %arg1: i32, %arg2: memref<10000x48xf32, #tpu.memory_space<hbm>>, %arg3: memref<10000x48xf32, #tpu.memory_space<hbm>>, %arg4: memref<1250x256xi32, #tpu.memory_space<hbm>>, %arg5: memref<1250x256xi32, #tpu.memory_space<hbm>>, %arg6: memref<320000x48xf32, #tpu.memory_space<hbm>>, %arg7: memref<256xi32, #tpu.memory_space<vmem>>, %arg8: memref<256xi32, #tpu.memory_space<vmem>>, %arg9: memref<256xi32, #tpu.memory_space<vmem>>, %arg10: memref<256xi32, #tpu.memory_space<vmem>>, %arg11: memref<256x48xf32, #tpu.memory_space<vmem>>, %arg12: memref<256x48xf32, #tpu.memory_space<vmem>>, %arg13: memref<256x48xf32, #tpu.memory_space<vmem>>, %arg14: memref<256x48xf32, #tpu.memory_space<vmem>>, %arg15: memref<!tpu.dma_semaphore, #tpu.memory_space<semaphore_mem>>, %arg16: memref<!tpu.dma_semaphore, #tpu.memory_space<semaphore_mem>>, %arg17: memref<!tpu.dma_semaphore, #tpu.memory_space<semaphore_mem>>, %arg18: memref<!tpu.dma_semaphore, #tpu.memory_space<semaphore_mem>>) attributes {dimension_semantics = [#tpu.dimension_semantics<core_parallel>, #tpu.dimension_semantics<subcore_parallel>], iteration_bounds = array<i64: 2, 16>, scalar_prefetch = 0 : i64, scratch_operands = 12 : i64, tpu.core_type = #tpu.core_type<sc_vector_subcore>, window_params = [{transform_indices = #map}, {transform_indices = #map}, {transform_indices = #map}, {transform_indices = #map}, {transform_indices = #map}]} {
    %mul3A = arith.constant 2 : i32
    %mul3A_0 = arith.muli %arg1, %mul3A : i32
    %add3A = arith.addi %mul3A_0, %arg0 : i32
    "tpu.region"() ({
      %run_scoped3A = tpu.sem_alloc : memref<!tpu.dma_semaphore, #tpu.memory_space<semaphore_mem>>
      %dma_start3A_11 = arith.constant 0 : i32
      %dma_start3A_12 = tpu.memref_slice %arg4[%add3A, %dma_start3A_11] : memref<1250x256xi32, #tpu.memory_space<hbm>> -> memref<1x256xi32, #tpu.memory_space<hbm>>
      %dma_start3A_13 = tpu.memref_squeeze %dma_start3A_12 : memref<1x256xi32, #tpu.memory_space<hbm>> -> memref<256xi32, #tpu.memory_space<hbm>>
      %dma_start3A_14 = arith.constant 0 : i32
      %dma_start3A_15 = tpu.memref_slice %arg4[%add3A, %dma_start3A_14] : memref<1250x256xi32, #tpu.memory_space<hbm>> -> memref<1x256xi32, #tpu.memory_space<hbm>>
      %dma_start3A_16 = tpu.memref_squeeze %dma_start3A_15 : memref<1x256xi32, #tpu.memory_space<hbm>> -> memref<256xi32, #tpu.memory_space<hbm>>
      tpu.enqueue_dma source(%dma_start3A_16 : memref<256xi32, #tpu.memory_space<hbm>>) target(%arg7 : memref<256xi32, #tpu.memory_space<vmem>>) target_semaphore(%run_scoped3A : memref<!tpu.dma_semaphore, #tpu.memory_space<semaphore_mem>>)
      %dma_wait3A = arith.constant 0 : i32
      %dma_wait3A_17 = tpu.memref_slice %arg4[%add3A, %dma_wait3A] : memref<1250x256xi32, #tpu.memory_space<hbm>> -> memref<1x256xi32, #tpu.memory_space<hbm>>
      %dma_wait3A_18 = tpu.memref_squeeze %dma_wait3A_17 : memref<1x256xi32, #tpu.memory_space<hbm>> -> memref<256xi32, #tpu.memory_space<hbm>>
      %dma_wait3A_19 = arith.constant 0 : i32
      %dma_wait3A_20 = tpu.memref_slice %arg4[%add3A, %dma_wait3A_19] : memref<1250x256xi32, #tpu.memory_space<hbm>> -> memref<1x256xi32, #tpu.memory_space<hbm>>
      %dma_wait3A_21 = tpu.memref_squeeze %dma_wait3A_20 : memref<1x256xi32, #tpu.memory_space<hbm>> -> memref<256xi32, #tpu.memory_space<hbm>>
      tpu.wait_dma2 semaphore(%run_scoped3A : memref<!tpu.dma_semaphore, #tpu.memory_space<semaphore_mem>>) src(%dma_wait3A_21 : memref<256xi32, #tpu.memory_space<hbm>>) dst(%arg7 : memref<256xi32, #tpu.memory_space<vmem>>)
      tpu.yield
    }) : () -> ()
    %dma_start3A = arith.constant 0 : i32
    %dma_start3A_1 = arith.constant 0 : i32
    %dma_start3A_2 = tpu.memref_slice %arg2[%dma_start3A, %dma_start3A_1] : memref<10000x48xf32, #tpu.memory_space<hbm>> -> memref<10000x48xf32, #tpu.memory_space<hbm>>
    tpu.enqueue_indirect_dma source(%dma_start3A_2 : memref<10000x48xf32, #tpu.memory_space<hbm>>) target(%arg11 : memref<256x48xf32, #tpu.memory_space<vmem>>) offsets(%arg7 : memref<256xi32, #tpu.memory_space<vmem>>) semaphore(%arg15 : memref<!tpu.dma_semaphore, #tpu.memory_space<semaphore_mem>>)
    "tpu.region"() ({
      %run_scoped3A = tpu.sem_alloc : memref<!tpu.dma_semaphore, #tpu.memory_space<semaphore_mem>>
      %dma_start3A_11 = arith.constant 0 : i32
      %dma_start3A_12 = tpu.memref_slice %arg5[%add3A, %dma_start3A_11] : memref<1250x256xi32, #tpu.memory_space<hbm>> -> memref<1x256xi32, #tpu.memory_space<hbm>>
      %dma_start3A_13 = tpu.memref_squeeze %dma_start3A_12 : memref<1x256xi32, #tpu.memory_space<hbm>> -> memref<256xi32, #tpu.memory_space<hbm>>
      %dma_start3A_14 = arith.constant 0 : i32
      %dma_start3A_15 = tpu.memref_slice %arg5[%add3A, %dma_start3A_14] : memref<1250x256xi32, #tpu.memory_space<hbm>> -> memref<1x256xi32, #tpu.memory_space<hbm>>
      %dma_start3A_16 = tpu.memref_squeeze %dma_start3A_15 : memref<1x256xi32, #tpu.memory_space<hbm>> -> memref<256xi32, #tpu.memory_space<hbm>>
      tpu.enqueue_dma source(%dma_start3A_16 : memref<256xi32, #tpu.memory_space<hbm>>) target(%arg9 : memref<256xi32, #tpu.memory_space<vmem>>) target_semaphore(%run_scoped3A : memref<!tpu.dma_semaphore, #tpu.memory_space<semaphore_mem>>)
      %dma_wait3A = arith.constant 0 : i32
      %dma_wait3A_17 = tpu.memref_slice %arg5[%add3A, %dma_wait3A] : memref<1250x256xi32, #tpu.memory_space<hbm>> -> memref<1x256xi32, #tpu.memory_space<hbm>>
      %dma_wait3A_18 = tpu.memref_squeeze %dma_wait3A_17 : memref<1x256xi32, #tpu.memory_space<hbm>> -> memref<256xi32, #tpu.memory_space<hbm>>
      %dma_wait3A_19 = arith.constant 0 : i32
      %dma_wait3A_20 = tpu.memref_slice %arg5[%add3A, %dma_wait3A_19] : memref<1250x256xi32, #tpu.memory_space<hbm>> -> memref<1x256xi32, #tpu.memory_space<hbm>>
      %dma_wait3A_21 = tpu.memref_squeeze %dma_wait3A_20 : memref<1x256xi32, #tpu.memory_space<hbm>> -> memref<256xi32, #tpu.memory_space<hbm>>
      tpu.wait_dma2 semaphore(%run_scoped3A : memref<!tpu.dma_semaphore, #tpu.memory_space<semaphore_mem>>) src(%dma_wait3A_21 : memref<256xi32, #tpu.memory_space<hbm>>) dst(%arg9 : memref<256xi32, #tpu.memory_space<vmem>>)
      tpu.yield
    }) : () -> ()
    %dma_start3A_3 = arith.constant 0 : i32
    %dma_start3A_4 = arith.constant 0 : i32
    %dma_start3A_5 = tpu.memref_slice %arg3[%dma_start3A_3, %dma_start3A_4] : memref<10000x48xf32, #tpu.memory_space<hbm>> -> memref<10000x48xf32, #tpu.memory_space<hbm>>
    tpu.enqueue_indirect_dma source(%dma_start3A_5 : memref<10000x48xf32, #tpu.memory_space<hbm>>) target(%arg13 : memref<256x48xf32, #tpu.memory_space<vmem>>) offsets(%arg9 : memref<256xi32, #tpu.memory_space<vmem>>) semaphore(%arg17 : memref<!tpu.dma_semaphore, #tpu.memory_space<semaphore_mem>>)
    %scan3A = arith.constant 0 : i32
    %scan3A_6 = arith.constant 0 : i32
    %scan3A_7 = arith.constant 20 : i32
    %scan3A_8 = arith.addi %scan3A_6, %scan3A_7 : i32
    %scan3A_9 = arith.constant 1 : i32
    scf.for %scan3A_11 = %scan3A_6 to %scan3A_8 step %scan3A_9  : i32 {
      %mul3A_12 = arith.constant 2 : i32
      %mul3A_13 = arith.muli %mul3A_12, %scan3A_11 : i32
      %mul3A_14 = arith.constant 32 : i32
      %mul3A_15 = arith.muli %mul3A_13, %mul3A_14 : i32
      %add3A_16 = arith.addi %add3A, %mul3A_15 : i32
      %add3A_17 = arith.constant 32 : i32
      %add3A_18 = arith.addi %add3A_16, %add3A_17 : i32
      %add3A_19 = arith.constant 64 : i32
      %add3A_20 = arith.addi %add3A_16, %add3A_19 : i32
      %lt3A = arith.constant 1250 : i32
      %lt3A_21 = arith.cmpi slt, %add3A_18, %lt3A : i32
      %convert_element_type3A = arith.extui %lt3A_21 : i1 to i32
      %cond3A = arith.constant 0 : i32
      %cond3A_22 = arith.cmpi ne, %convert_element_type3A, %cond3A : i32
      scf.if %cond3A_22 {
        "tpu.region"() ({
          %run_scoped3A = tpu.sem_alloc : memref<!tpu.dma_semaphore, #tpu.memory_space<semaphore_mem>>
          %dma_start3A_44 = arith.constant 0 : i32
          %dma_start3A_45 = tpu.memref_slice %arg4[%add3A_18, %dma_start3A_44] : memref<1250x256xi32, #tpu.memory_space<hbm>> -> memref<1x256xi32, #tpu.memory_space<hbm>>
          %dma_start3A_46 = tpu.memref_squeeze %dma_start3A_45 : memref<1x256xi32, #tpu.memory_space<hbm>> -> memref<256xi32, #tpu.memory_space<hbm>>
          %dma_start3A_47 = arith.constant 0 : i32
          %dma_start3A_48 = tpu.memref_slice %arg4[%add3A_18, %dma_start3A_47] : memref<1250x256xi32, #tpu.memory_space<hbm>> -> memref<1x256xi32, #tpu.memory_space<hbm>>
          %dma_start3A_49 = tpu.memref_squeeze %dma_start3A_48 : memref<1x256xi32, #tpu.memory_space<hbm>> -> memref<256xi32, #tpu.memory_space<hbm>>
          tpu.enqueue_dma source(%dma_start3A_49 : memref<256xi32, #tpu.memory_space<hbm>>) target(%arg8 : memref<256xi32, #tpu.memory_space<vmem>>) target_semaphore(%run_scoped3A : memref<!tpu.dma_semaphore, #tpu.memory_space<semaphore_mem>>)
          %dma_wait3A = arith.constant 0 : i32
          %dma_wait3A_50 = tpu.memref_slice %arg4[%add3A_18, %dma_wait3A] : memref<1250x256xi32, #tpu.memory_space<hbm>> -> memref<1x256xi32, #tpu.memory_space<hbm>>
          %dma_wait3A_51 = tpu.memref_squeeze %dma_wait3A_50 : memref<1x256xi32, #tpu.memory_space<hbm>> -> memref<256xi32, #tpu.memory_space<hbm>>
          %dma_wait3A_52 = arith.constant 0 : i32
          %dma_wait3A_53 = tpu.memref_slice %arg4[%add3A_18, %dma_wait3A_52] : memref<1250x256xi32, #tpu.memory_space<hbm>> -> memref<1x256xi32, #tpu.memory_space<hbm>>
          %dma_wait3A_54 = tpu.memref_squeeze %dma_wait3A_53 : memref<1x256xi32, #tpu.memory_space<hbm>> -> memref<256xi32, #tpu.memory_space<hbm>>
          tpu.wait_dma2 semaphore(%run_scoped3A : memref<!tpu.dma_semaphore, #tpu.memory_space<semaphore_mem>>) src(%dma_wait3A_54 : memref<256xi32, #tpu.memory_space<hbm>>) dst(%arg8 : memref<256xi32, #tpu.memory_space<vmem>>)
          tpu.yield
        }) : () -> ()
        %dma_start3A_38 = arith.constant 0 : i32
        %dma_start3A_39 = arith.constant 0 : i32
        %dma_start3A_40 = tpu.memref_slice %arg2[%dma_start3A_38, %dma_start3A_39] : memref<10000x48xf32, #tpu.memory_space<hbm>> -> memref<10000x48xf32, #tpu.memory_space<hbm>>
        tpu.enqueue_indirect_dma source(%dma_start3A_40 : memref<10000x48xf32, #tpu.memory_space<hbm>>) target(%arg12 : memref<256x48xf32, #tpu.memory_space<vmem>>) offsets(%arg8 : memref<256xi32, #tpu.memory_space<vmem>>) semaphore(%arg16 : memref<!tpu.dma_semaphore, #tpu.memory_space<semaphore_mem>>)
        "tpu.region"() ({
          %run_scoped3A = tpu.sem_alloc : memref<!tpu.dma_semaphore, #tpu.memory_space<semaphore_mem>>
          %dma_start3A_44 = arith.constant 0 : i32
          %dma_start3A_45 = tpu.memref_slice %arg5[%add3A_18, %dma_start3A_44] : memref<1250x256xi32, #tpu.memory_space<hbm>> -> memref<1x256xi32, #tpu.memory_space<hbm>>
          %dma_start3A_46 = tpu.memref_squeeze %dma_start3A_45 : memref<1x256xi32, #tpu.memory_space<hbm>> -> memref<256xi32, #tpu.memory_space<hbm>>
          %dma_start3A_47 = arith.constant 0 : i32
          %dma_start3A_48 = tpu.memref_slice %arg5[%add3A_18, %dma_start3A_47] : memref<1250x256xi32, #tpu.memory_space<hbm>> -> memref<1x256xi32, #tpu.memory_space<hbm>>
          %dma_start3A_49 = tpu.memref_squeeze %dma_start3A_48 : memref<1x256xi32, #tpu.memory_space<hbm>> -> memref<256xi32, #tpu.memory_space<hbm>>
          tpu.enqueue_dma source(%dma_start3A_49 : memref<256xi32, #tpu.memory_space<hbm>>) target(%arg10 : memref<256xi32, #tpu.memory_space<vmem>>) target_semaphore(%run_scoped3A : memref<!tpu.dma_semaphore, #tpu.memory_space<semaphore_mem>>)
          %dma_wait3A = arith.constant 0 : i32
          %dma_wait3A_50 = tpu.memref_slice %arg5[%add3A_18, %dma_wait3A] : memref<1250x256xi32, #tpu.memory_space<hbm>> -> memref<1x256xi32, #tpu.memory_space<hbm>>
          %dma_wait3A_51 = tpu.memref_squeeze %dma_wait3A_50 : memref<1x256xi32, #tpu.memory_space<hbm>> -> memref<256xi32, #tpu.memory_space<hbm>>
          %dma_wait3A_52 = arith.constant 0 : i32
          %dma_wait3A_53 = tpu.memref_slice %arg5[%add3A_18, %dma_wait3A_52] : memref<1250x256xi32, #tpu.memory_space<hbm>> -> memref<1x256xi32, #tpu.memory_space<hbm>>
          %dma_wait3A_54 = tpu.memref_squeeze %dma_wait3A_53 : memref<1x256xi32, #tpu.memory_space<hbm>> -> memref<256xi32, #tpu.memory_space<hbm>>
          tpu.wait_dma2 semaphore(%run_scoped3A : memref<!tpu.dma_semaphore, #tpu.memory_space<semaphore_mem>>) src(%dma_wait3A_54 : memref<256xi32, #tpu.memory_space<hbm>>) dst(%arg10 : memref<256xi32, #tpu.memory_space<vmem>>)
          tpu.yield
        }) : () -> ()
        %dma_start3A_41 = arith.constant 0 : i32
        %dma_start3A_42 = arith.constant 0 : i32
        %dma_start3A_43 = tpu.memref_slice %arg3[%dma_start3A_41, %dma_start3A_42] : memref<10000x48xf32, #tpu.memory_space<hbm>> -> memref<10000x48xf32, #tpu.memory_space<hbm>>
        tpu.enqueue_indirect_dma source(%dma_start3A_43 : memref<10000x48xf32, #tpu.memory_space<hbm>>) target(%arg14 : memref<256x48xf32, #tpu.memory_space<vmem>>) offsets(%arg10 : memref<256xi32, #tpu.memory_space<vmem>>) semaphore(%arg18 : memref<!tpu.dma_semaphore, #tpu.memory_space<semaphore_mem>>)
      } else {
      }
      %lt3A_23 = arith.constant 1250 : i32
      %lt3A_24 = arith.cmpi slt, %add3A_16, %lt3A_23 : i32
      %convert_element_type3A_25 = arith.extui %lt3A_24 : i1 to i32
      %cond3A_26 = arith.constant 0 : i32
      %cond3A_27 = arith.cmpi ne, %convert_element_type3A_25, %cond3A_26 : i32
      scf.if %cond3A_27 {
        %dma_wait3A = arith.constant 0 : i32
        %dma_wait3A_38 = arith.constant 0 : i32
        %dma_wait3A_39 = tpu.memref_slice %arg2[%dma_wait3A, %dma_wait3A_38] : memref<10000x48xf32, #tpu.memory_space<hbm>> -> memref<10000x48xf32, #tpu.memory_space<hbm>>
        tpu.wait_indirect_dma semaphore(%arg15 : memref<!tpu.dma_semaphore, #tpu.memory_space<semaphore_mem>>) src(%dma_wait3A_39 : memref<10000x48xf32, #tpu.memory_space<hbm>>) dst(%arg11 : memref<256x48xf32, #tpu.memory_space<vmem>>)
        %dma_wait3A_40 = arith.constant 0 : i32
        %dma_wait3A_41 = arith.constant 0 : i32
        %dma_wait3A_42 = tpu.memref_slice %arg3[%dma_wait3A_40, %dma_wait3A_41] : memref<10000x48xf32, #tpu.memory_space<hbm>> -> memref<10000x48xf32, #tpu.memory_space<hbm>>
        tpu.wait_indirect_dma semaphore(%arg17 : memref<!tpu.dma_semaphore, #tpu.memory_space<semaphore_mem>>) src(%dma_wait3A_42 : memref<10000x48xf32, #tpu.memory_space<hbm>>) dst(%arg13 : memref<256x48xf32, #tpu.memory_space<vmem>>)
        %scan3A_43 = arith.constant 0 : i32
        %scan3A_44 = arith.constant 0 : i32
        %scan3A_45 = arith.constant 256 : i32
        %scan3A_46 = arith.addi %scan3A_44, %scan3A_45 : i32
        %scan3A_47 = arith.constant 1 : i32
        scf.for %scan3A_51 = %scan3A_44 to %scan3A_46 step %scan3A_47  : i32 {
          %get3A = arith.index_cast %scan3A_51 : i32 to index
          %get3A_52 = arith.constant 0 : index
          %get3A_53 = tpu.vector_load %arg11[%get3A, %get3A_52] {strides = array<i32>} : memref<256x48xf32, #tpu.memory_space<vmem>>, vector<1x16xf32>,
          %get3A_54 = vector.shape_cast %get3A_53 : vector<1x16xf32> to vector<16xf32>
          %get3A_55 = arith.index_cast %scan3A_51 : i32 to index
          %get3A_56 = arith.constant 0 : index
          %get3A_57 = tpu.vector_load %arg13[%get3A_55, %get3A_56] {strides = array<i32>} : memref<256x48xf32, #tpu.memory_space<vmem>>, vector<1x16xf32>,
          %get3A_58 = vector.shape_cast %get3A_57 : vector<1x16xf32> to vector<16xf32>
          %add3A_59 = arith.addf %get3A_54, %get3A_58 : vector<16xf32>
          %swap3A = arith.index_cast %scan3A_51 : i32 to index
          %swap3A_60 = arith.constant 0 : index
          %swap3A_61 = tpu.vector_load %arg11[%swap3A, %swap3A_60] {strides = array<i32>} : memref<256x48xf32, #tpu.memory_space<vmem>>, vector<1x16xf32>,
          %swap3A_62 = vector.shape_cast %swap3A_61 : vector<1x16xf32> to vector<16xf32>
          %swap3A_63 = vector.shape_cast %add3A_59 : vector<16xf32> to vector<1x16xf32>
          tpu.vector_store %arg11[%swap3A, %swap3A_60], %swap3A_63 {strides = array<i32>} : memref<256x48xf32, #tpu.memory_space<vmem>>, vector<1x16xf32>,
          %get3A_64 = arith.index_cast %scan3A_51 : i32 to index
          %get3A_65 = arith.constant 16 : index
          %get3A_66 = tpu.vector_load %arg11[%get3A_64, %get3A_65] {strides = array<i32>} : memref<256x48xf32, #tpu.memory_space<vmem>>, vector<1x16xf32>,
          %get3A_67 = vector.shape_cast %get3A_66 : vector<1x16xf32> to vector<16xf32>
          %get3A_68 = arith.index_cast %scan3A_51 : i32 to index
          %get3A_69 = arith.constant 16 : index
          %get3A_70 = tpu.vector_load %arg13[%get3A_68, %get3A_69] {strides = array<i32>} : memref<256x48xf32, #tpu.memory_space<vmem>>, vector<1x16xf32>,
          %get3A_71 = vector.shape_cast %get3A_70 : vector<1x16xf32> to vector<16xf32>
          %add3A_72 = arith.addf %get3A_67, %get3A_71 : vector<16xf32>
          %swap3A_73 = arith.index_cast %scan3A_51 : i32 to index
          %swap3A_74 = arith.constant 16 : index
          %swap3A_75 = tpu.vector_load %arg11[%swap3A_73, %swap3A_74] {strides = array<i32>} : memref<256x48xf32, #tpu.memory_space<vmem>>, vector<1x16xf32>,
          %swap3A_76 = vector.shape_cast %swap3A_75 : vector<1x16xf32> to vector<16xf32>
          %swap3A_77 = vector.shape_cast %add3A_72 : vector<16xf32> to vector<1x16xf32>
          tpu.vector_store %arg11[%swap3A_73, %swap3A_74], %swap3A_77 {strides = array<i32>} : memref<256x48xf32, #tpu.memory_space<vmem>>, vector<1x16xf32>,
          %get3A_78 = arith.index_cast %scan3A_51 : i32 to index
          %get3A_79 = arith.constant 32 : index
          %get3A_80 = tpu.vector_load %arg11[%get3A_78, %get3A_79] {strides = array<i32>} : memref<256x48xf32, #tpu.memory_space<vmem>>, vector<1x16xf32>,
          %get3A_81 = vector.shape_cast %get3A_80 : vector<1x16xf32> to vector<16xf32>
          %get3A_82 = arith.index_cast %scan3A_51 : i32 to index
          %get3A_83 = arith.constant 32 : index
          %get3A_84 = tpu.vector_load %arg13[%get3A_82, %get3A_83] {strides = array<i32>} : memref<256x48xf32, #tpu.memory_space<vmem>>, vector<1x16xf32>,
          %get3A_85 = vector.shape_cast %get3A_84 : vector<1x16xf32> to vector<16xf32>
          %add3A_86 = arith.addf %get3A_81, %get3A_85 : vector<16xf32>
          %swap3A_87 = arith.index_cast %scan3A_51 : i32 to index
          %swap3A_88 = arith.constant 32 : index
          %swap3A_89 = tpu.vector_load %arg11[%swap3A_87, %swap3A_88] {strides = array<i32>} : memref<256x48xf32, #tpu.memory_space<vmem>>, vector<1x16xf32>,
          %swap3A_90 = vector.shape_cast %swap3A_89 : vector<1x16xf32> to vector<16xf32>
          %swap3A_91 = vector.shape_cast %add3A_86 : vector<16xf32> to vector<1x16xf32>
          tpu.vector_store %arg11[%swap3A_87, %swap3A_88], %swap3A_91 {strides = array<i32>} : memref<256x48xf32, #tpu.memory_space<vmem>>, vector<1x16xf32>,
        }
        %scan3A_48 = arith.constant 256 : i32
        %mul3A_49 = arith.constant 256 : i32
        %mul3A_50 = arith.muli %add3A_16, %mul3A_49 : i32
        "tpu.region"() ({
          %run_scoped3A = tpu.sem_alloc : memref<!tpu.dma_semaphore, #tpu.memory_space<semaphore_mem>>
          %dma_start3A_51 = arith.constant 0 : i32
          %dma_start3A_52 = tpu.memref_slice %arg6[%mul3A_50, %dma_start3A_51] : memref<320000x48xf32, #tpu.memory_space<hbm>> -> memref<256x48xf32, #tpu.memory_space<hbm>>
          %dma_start3A_53 = arith.constant 0 : i32
          %dma_start3A_54 = tpu.memref_slice %arg6[%mul3A_50, %dma_start3A_53] : memref<320000x48xf32, #tpu.memory_space<hbm>> -> memref<256x48xf32, #tpu.memory_space<hbm>>
          tpu.enqueue_dma source(%arg11 : memref<256x48xf32, #tpu.memory_space<vmem>>) target(%dma_start3A_54 : memref<256x48xf32, #tpu.memory_space<hbm>>) target_semaphore(%run_scoped3A : memref<!tpu.dma_semaphore, #tpu.memory_space<semaphore_mem>>)
          %dma_wait3A_55 = arith.constant 0 : i32
          %dma_wait3A_56 = tpu.memref_slice %arg6[%mul3A_50, %dma_wait3A_55] : memref<320000x48xf32, #tpu.memory_space<hbm>> -> memref<256x48xf32, #tpu.memory_space<hbm>>
          %dma_wait3A_57 = arith.constant 0 : i32
          %dma_wait3A_58 = tpu.memref_slice %arg6[%mul3A_50, %dma_wait3A_57] : memref<320000x48xf32, #tpu.memory_space<hbm>> -> memref<256x48xf32, #tpu.memory_space<hbm>>
          tpu.wait_dma2 semaphore(%run_scoped3A : memref<!tpu.dma_semaphore, #tpu.memory_space<semaphore_mem>>) src(%arg11 : memref<256x48xf32, #tpu.memory_space<vmem>>) dst(%dma_wait3A_58 : memref<256x48xf32, #tpu.memory_space<hbm>>)
          tpu.yield
        }) : () -> ()
      } else {
      }
      %lt3A_28 = arith.constant 1250 : i32
      %lt3A_29 = arith.cmpi slt, %add3A_20, %lt3A_28 : i32
      %convert_element_type3A_30 = arith.extui %lt3A_29 : i1 to i32
      %cond3A_31 = arith.constant 0 : i32
      %cond3A_32 = arith.cmpi ne, %convert_element_type3A_30, %cond3A_31 : i32
      scf.if %cond3A_32 {
        "tpu.region"() ({
          %run_scoped3A = tpu.sem_alloc : memref<!tpu.dma_semaphore, #tpu.memory_space<semaphore_mem>>
          %dma_start3A_44 = arith.constant 0 : i32
          %dma_start3A_45 = tpu.memref_slice %arg4[%add3A_20, %dma_start3A_44] : memref<1250x256xi32, #tpu.memory_space<hbm>> -> memref<1x256xi32, #tpu.memory_space<hbm>>
          %dma_start3A_46 = tpu.memref_squeeze %dma_start3A_45 : memref<1x256xi32, #tpu.memory_space<hbm>> -> memref<256xi32, #tpu.memory_space<hbm>>
          %dma_start3A_47 = arith.constant 0 : i32
          %dma_start3A_48 = tpu.memref_slice %arg4[%add3A_20, %dma_start3A_47] : memref<1250x256xi32, #tpu.memory_space<hbm>> -> memref<1x256xi32, #tpu.memory_space<hbm>>
          %dma_start3A_49 = tpu.memref_squeeze %dma_start3A_48 : memref<1x256xi32, #tpu.memory_space<hbm>> -> memref<256xi32, #tpu.memory_space<hbm>>
          tpu.enqueue_dma source(%dma_start3A_49 : memref<256xi32, #tpu.memory_space<hbm>>) target(%arg7 : memref<256xi32, #tpu.memory_space<vmem>>) target_semaphore(%run_scoped3A : memref<!tpu.dma_semaphore, #tpu.memory_space<semaphore_mem>>)
          %dma_wait3A = arith.constant 0 : i32
          %dma_wait3A_50 = tpu.memref_slice %arg4[%add3A_20, %dma_wait3A] : memref<1250x256xi32, #tpu.memory_space<hbm>> -> memref<1x256xi32, #tpu.memory_space<hbm>>
          %dma_wait3A_51 = tpu.memref_squeeze %dma_wait3A_50 : memref<1x256xi32, #tpu.memory_space<hbm>> -> memref<256xi32, #tpu.memory_space<hbm>>
          %dma_wait3A_52 = arith.constant 0 : i32
          %dma_wait3A_53 = tpu.memref_slice %arg4[%add3A_20, %dma_wait3A_52] : memref<1250x256xi32, #tpu.memory_space<hbm>> -> memref<1x256xi32, #tpu.memory_space<hbm>>
          %dma_wait3A_54 = tpu.memref_squeeze %dma_wait3A_53 : memref<1x256xi32, #tpu.memory_space<hbm>> -> memref<256xi32, #tpu.memory_space<hbm>>
          tpu.wait_dma2 semaphore(%run_scoped3A : memref<!tpu.dma_semaphore, #tpu.memory_space<semaphore_mem>>) src(%dma_wait3A_54 : memref<256xi32, #tpu.memory_space<hbm>>) dst(%arg7 : memref<256xi32, #tpu.memory_space<vmem>>)
          tpu.yield
        }) : () -> ()
        %dma_start3A_38 = arith.constant 0 : i32
        %dma_start3A_39 = arith.constant 0 : i32
        %dma_start3A_40 = tpu.memref_slice %arg2[%dma_start3A_38, %dma_start3A_39] : memref<10000x48xf32, #tpu.memory_space<hbm>> -> memref<10000x48xf32, #tpu.memory_space<hbm>>
        tpu.enqueue_indirect_dma source(%dma_start3A_40 : memref<10000x48xf32, #tpu.memory_space<hbm>>) target(%arg11 : memref<256x48xf32, #tpu.memory_space<vmem>>) offsets(%arg7 : memref<256xi32, #tpu.memory_space<vmem>>) semaphore(%arg15 : memref<!tpu.dma_semaphore, #tpu.memory_space<semaphore_mem>>)
        "tpu.region"() ({
          %run_scoped3A = tpu.sem_alloc : memref<!tpu.dma_semaphore, #tpu.memory_space<semaphore_mem>>
          %dma_start3A_44 = arith.constant 0 : i32
          %dma_start3A_45 = tpu.memref_slice %arg5[%add3A_20, %dma_start3A_44] : memref<1250x256xi32, #tpu.memory_space<hbm>> -> memref<1x256xi32, #tpu.memory_space<hbm>>
          %dma_start3A_46 = tpu.memref_squeeze %dma_start3A_45 : memref<1x256xi32, #tpu.memory_space<hbm>> -> memref<256xi32, #tpu.memory_space<hbm>>
          %dma_start3A_47 = arith.constant 0 : i32
          %dma_start3A_48 = tpu.memref_slice %arg5[%add3A_20, %dma_start3A_47] : memref<1250x256xi32, #tpu.memory_space<hbm>> -> memref<1x256xi32, #tpu.memory_space<hbm>>
          %dma_start3A_49 = tpu.memref_squeeze %dma_start3A_48 : memref<1x256xi32, #tpu.memory_space<hbm>> -> memref<256xi32, #tpu.memory_space<hbm>>
          tpu.enqueue_dma source(%dma_start3A_49 : memref<256xi32, #tpu.memory_space<hbm>>) target(%arg9 : memref<256xi32, #tpu.memory_space<vmem>>) target_semaphore(%run_scoped3A : memref<!tpu.dma_semaphore, #tpu.memory_space<semaphore_mem>>)
          %dma_wait3A = arith.constant 0 : i32
          %dma_wait3A_50 = tpu.memref_slice %arg5[%add3A_20, %dma_wait3A] : memref<1250x256xi32, #tpu.memory_space<hbm>> -> memref<1x256xi32, #tpu.memory_space<hbm>>
          %dma_wait3A_51 = tpu.memref_squeeze %dma_wait3A_50 : memref<1x256xi32, #tpu.memory_space<hbm>> -> memref<256xi32, #tpu.memory_space<hbm>>
          %dma_wait3A_52 = arith.constant 0 : i32
          %dma_wait3A_53 = tpu.memref_slice %arg5[%add3A_20, %dma_wait3A_52] : memref<1250x256xi32, #tpu.memory_space<hbm>> -> memref<1x256xi32, #tpu.memory_space<hbm>>
          %dma_wait3A_54 = tpu.memref_squeeze %dma_wait3A_53 : memref<1x256xi32, #tpu.memory_space<hbm>> -> memref<256xi32, #tpu.memory_space<hbm>>
          tpu.wait_dma2 semaphore(%run_scoped3A : memref<!tpu.dma_semaphore, #tpu.memory_space<semaphore_mem>>) src(%dma_wait3A_54 : memref<256xi32, #tpu.memory_space<hbm>>) dst(%arg9 : memref<256xi32, #tpu.memory_space<vmem>>)
          tpu.yield
        }) : () -> ()
        %dma_start3A_41 = arith.constant 0 : i32
        %dma_start3A_42 = arith.constant 0 : i32
        %dma_start3A_43 = tpu.memref_slice %arg3[%dma_start3A_41, %dma_start3A_42] : memref<10000x48xf32, #tpu.memory_space<hbm>> -> memref<10000x48xf32, #tpu.memory_space<hbm>>
        tpu.enqueue_indirect_dma source(%dma_start3A_43 : memref<10000x48xf32, #tpu.memory_space<hbm>>) target(%arg13 : memref<256x48xf32, #tpu.memory_space<vmem>>) offsets(%arg9 : memref<256xi32, #tpu.memory_space<vmem>>) semaphore(%arg17 : memref<!tpu.dma_semaphore, #tpu.memory_space<semaphore_mem>>)
      } else {
      }
      %lt3A_33 = arith.constant 1250 : i32
      %lt3A_34 = arith.cmpi slt, %add3A_18, %lt3A_33 : i32
      %convert_element_type3A_35 = arith.extui %lt3A_34 : i1 to i32
      %cond3A_36 = arith.constant 0 : i32
      %cond3A_37 = arith.cmpi ne, %convert_element_type3A_35, %cond3A_36 : i32
      scf.if %cond3A_37 {
        %dma_wait3A = arith.constant 0 : i32
        %dma_wait3A_38 = arith.constant 0 : i32
        %dma_wait3A_39 = tpu.memref_slice %arg2[%dma_wait3A, %dma_wait3A_38] : memref<10000x48xf32, #tpu.memory_space<hbm>> -> memref<10000x48xf32, #tpu.memory_space<hbm>>
        tpu.wait_indirect_dma semaphore(%arg16 : memref<!tpu.dma_semaphore, #tpu.memory_space<semaphore_mem>>) src(%dma_wait3A_39 : memref<10000x48xf32, #tpu.memory_space<hbm>>) dst(%arg12 : memref<256x48xf32, #tpu.memory_space<vmem>>)
        %dma_wait3A_40 = arith.constant 0 : i32
        %dma_wait3A_41 = arith.constant 0 : i32
        %dma_wait3A_42 = tpu.memref_slice %arg3[%dma_wait3A_40, %dma_wait3A_41] : memref<10000x48xf32, #tpu.memory_space<hbm>> -> memref<10000x48xf32, #tpu.memory_space<hbm>>
        tpu.wait_indirect_dma semaphore(%arg18 : memref<!tpu.dma_semaphore, #tpu.memory_space<semaphore_mem>>) src(%dma_wait3A_42 : memref<10000x48xf32, #tpu.memory_space<hbm>>) dst(%arg14 : memref<256x48xf32, #tpu.memory_space<vmem>>)
        %scan3A_43 = arith.constant 0 : i32
        %scan3A_44 = arith.constant 0 : i32
        %scan3A_45 = arith.constant 256 : i32
        %scan3A_46 = arith.addi %scan3A_44, %scan3A_45 : i32
        %scan3A_47 = arith.constant 1 : i32
        scf.for %scan3A_51 = %scan3A_44 to %scan3A_46 step %scan3A_47  : i32 {
          %get3A = arith.index_cast %scan3A_51 : i32 to index
          %get3A_52 = arith.constant 0 : index
          %get3A_53 = tpu.vector_load %arg12[%get3A, %get3A_52] {strides = array<i32>} : memref<256x48xf32, #tpu.memory_space<vmem>>, vector<1x16xf32>,
          %get3A_54 = vector.shape_cast %get3A_53 : vector<1x16xf32> to vector<16xf32>
          %get3A_55 = arith.index_cast %scan3A_51 : i32 to index
          %get3A_56 = arith.constant 0 : index
          %get3A_57 = tpu.vector_load %arg14[%get3A_55, %get3A_56] {strides = array<i32>} : memref<256x48xf32, #tpu.memory_space<vmem>>, vector<1x16xf32>,
          %get3A_58 = vector.shape_cast %get3A_57 : vector<1x16xf32> to vector<16xf32>
          %add3A_59 = arith.addf %get3A_54, %get3A_58 : vector<16xf32>
          %swap3A = arith.index_cast %scan3A_51 : i32 to index
          %swap3A_60 = arith.constant 0 : index
          %swap3A_61 = tpu.vector_load %arg12[%swap3A, %swap3A_60] {strides = array<i32>} : memref<256x48xf32, #tpu.memory_space<vmem>>, vector<1x16xf32>,
          %swap3A_62 = vector.shape_cast %swap3A_61 : vector<1x16xf32> to vector<16xf32>
          %swap3A_63 = vector.shape_cast %add3A_59 : vector<16xf32> to vector<1x16xf32>
          tpu.vector_store %arg12[%swap3A, %swap3A_60], %swap3A_63 {strides = array<i32>} : memref<256x48xf32, #tpu.memory_space<vmem>>, vector<1x16xf32>,
          %get3A_64 = arith.index_cast %scan3A_51 : i32 to index
          %get3A_65 = arith.constant 16 : index
          %get3A_66 = tpu.vector_load %arg12[%get3A_64, %get3A_65] {strides = array<i32>} : memref<256x48xf32, #tpu.memory_space<vmem>>, vector<1x16xf32>,
          %get3A_67 = vector.shape_cast %get3A_66 : vector<1x16xf32> to vector<16xf32>
          %get3A_68 = arith.index_cast %scan3A_51 : i32 to index
          %get3A_69 = arith.constant 16 : index
          %get3A_70 = tpu.vector_load %arg14[%get3A_68, %get3A_69] {strides = array<i32>} : memref<256x48xf32, #tpu.memory_space<vmem>>, vector<1x16xf32>,
          %get3A_71 = vector.shape_cast %get3A_70 : vector<1x16xf32> to vector<16xf32>
          %add3A_72 = arith.addf %get3A_67, %get3A_71 : vector<16xf32>
          %swap3A_73 = arith.index_cast %scan3A_51 : i32 to index
          %swap3A_74 = arith.constant 16 : index
          %swap3A_75 = tpu.vector_load %arg12[%swap3A_73, %swap3A_74] {strides = array<i32>} : memref<256x48xf32, #tpu.memory_space<vmem>>, vector<1x16xf32>,
          %swap3A_76 = vector.shape_cast %swap3A_75 : vector<1x16xf32> to vector<16xf32>
          %swap3A_77 = vector.shape_cast %add3A_72 : vector<16xf32> to vector<1x16xf32>
          tpu.vector_store %arg12[%swap3A_73, %swap3A_74], %swap3A_77 {strides = array<i32>} : memref<256x48xf32, #tpu.memory_space<vmem>>, vector<1x16xf32>,
          %get3A_78 = arith.index_cast %scan3A_51 : i32 to index
          %get3A_79 = arith.constant 32 : index
          %get3A_80 = tpu.vector_load %arg12[%get3A_78, %get3A_79] {strides = array<i32>} : memref<256x48xf32, #tpu.memory_space<vmem>>, vector<1x16xf32>,
          %get3A_81 = vector.shape_cast %get3A_80 : vector<1x16xf32> to vector<16xf32>
          %get3A_82 = arith.index_cast %scan3A_51 : i32 to index
          %get3A_83 = arith.constant 32 : index
          %get3A_84 = tpu.vector_load %arg14[%get3A_82, %get3A_83] {strides = array<i32>} : memref<256x48xf32, #tpu.memory_space<vmem>>, vector<1x16xf32>,
          %get3A_85 = vector.shape_cast %get3A_84 : vector<1x16xf32> to vector<16xf32>
          %add3A_86 = arith.addf %get3A_81, %get3A_85 : vector<16xf32>
          %swap3A_87 = arith.index_cast %scan3A_51 : i32 to index
          %swap3A_88 = arith.constant 32 : index
          %swap3A_89 = tpu.vector_load %arg12[%swap3A_87, %swap3A_88] {strides = array<i32>} : memref<256x48xf32, #tpu.memory_space<vmem>>, vector<1x16xf32>,
          %swap3A_90 = vector.shape_cast %swap3A_89 : vector<1x16xf32> to vector<16xf32>
          %swap3A_91 = vector.shape_cast %add3A_86 : vector<16xf32> to vector<1x16xf32>
          tpu.vector_store %arg12[%swap3A_87, %swap3A_88], %swap3A_91 {strides = array<i32>} : memref<256x48xf32, #tpu.memory_space<vmem>>, vector<1x16xf32>,
        }
        %scan3A_48 = arith.constant 256 : i32
        %mul3A_49 = arith.constant 256 : i32
        %mul3A_50 = arith.muli %add3A_18, %mul3A_49 : i32
        "tpu.region"() ({
          %run_scoped3A = tpu.sem_alloc : memref<!tpu.dma_semaphore, #tpu.memory_space<semaphore_mem>>
          %dma_start3A_51 = arith.constant 0 : i32
          %dma_start3A_52 = tpu.memref_slice %arg6[%mul3A_50, %dma_start3A_51] : memref<320000x48xf32, #tpu.memory_space<hbm>> -> memref<256x48xf32, #tpu.memory_space<hbm>>
          %dma_start3A_53 = arith.constant 0 : i32
          %dma_start3A_54 = tpu.memref_slice %arg6[%mul3A_50, %dma_start3A_53] : memref<320000x48xf32, #tpu.memory_space<hbm>> -> memref<256x48xf32, #tpu.memory_space<hbm>>
          tpu.enqueue_dma source(%arg12 : memref<256x48xf32, #tpu.memory_space<vmem>>) target(%dma_start3A_54 : memref<256x48xf32, #tpu.memory_space<hbm>>) target_semaphore(%run_scoped3A : memref<!tpu.dma_semaphore, #tpu.memory_space<semaphore_mem>>)
          %dma_wait3A_55 = arith.constant 0 : i32
          %dma_wait3A_56 = tpu.memref_slice %arg6[%mul3A_50, %dma_wait3A_55] : memref<320000x48xf32, #tpu.memory_space<hbm>> -> memref<256x48xf32, #tpu.memory_space<hbm>>
          %dma_wait3A_57 = arith.constant 0 : i32
          %dma_wait3A_58 = tpu.memref_slice %arg6[%mul3A_50, %dma_wait3A_57] : memref<320000x48xf32, #tpu.memory_space<hbm>> -> memref<256x48xf32, #tpu.memory_space<hbm>>
          tpu.wait_dma2 semaphore(%run_scoped3A : memref<!tpu.dma_semaphore, #tpu.memory_space<semaphore_mem>>) src(%arg12 : memref<256x48xf32, #tpu.memory_space<vmem>>) dst(%dma_wait3A_58 : memref<256x48xf32, #tpu.memory_space<hbm>>)
          tpu.yield
        }) : () -> ()
      } else {
      }
    }
    %scan3A_10 = arith.constant 20 : i32
    return
  }
}

module attributes {stable_mosaic.version = 14 : i64} {
  func.func @_pre_body(%arg0: memref<10000x128xf32, #tpu.memory_space<vmem>>, %arg1: memref<128x64xf32, #tpu.memory_space<vmem>>, %arg2: memref<10000x64xf32, #tpu.memory_space<vmem>>) attributes {dimension_semantics = [], scalar_prefetch = 0 : i64, scratch_operands = 0 : i64, tpu.core_type = #tpu.core_type<tc>} {
    %get3A = arith.constant 0 : index
    %get3A_0 = arith.constant 0 : index
    %get3A_1 = vector.load %arg0[%get3A, %get3A_0] : memref<10000x128xf32, #tpu.memory_space<vmem>>, vector<10000x128xf32>
    %get3A_2 = arith.constant 0 : index
    %get3A_3 = arith.constant 0 : index
    %get3A_4 = vector.load %arg1[%get3A_2, %get3A_3] : memref<128x64xf32, #tpu.memory_space<vmem>>, vector<128x64xf32>
    %dot_general3A = arith.constant dense<0.000000e+00> : vector<10000x64xf32>
    %dot_general3A_5 = tpu.matmul %get3A_1, %get3A_4, %dot_general3A {dimension_numbers = #tpu.dot_dimension_numbers<[1], [0], [0], [1], [0, 0, 1, 1], [], []>, transpose_lhs_hint = false} : vector<10000x128xf32>, vector<128x64xf32>, vector<10000x64xf32> -> vector<10000x64xf32>
    %swap3A = arith.constant 0 : index
    %swap3A_6 = arith.constant 0 : index
    %swap3A_7 = vector.load %arg2[%swap3A, %swap3A_6] : memref<10000x64xf32, #tpu.memory_space<vmem>>, vector<10000x64xf32>
    tpu.vector_store %arg2[%swap3A, %swap3A_6], %dot_general3A_5 {strides = array<i32>} : memref<10000x64xf32, #tpu.memory_space<vmem>>, vector<10000x64xf32>,
    return
  }
}

module attributes {stable_mosaic.version = 14 : i64} {
  func.func @_edge_body(%arg0: i32, %arg1: memref<4000x48xf32, #tpu.memory_space<vmem>>, %arg2: memref<32x32xf32, #tpu.memory_space<vmem>>, %arg3: memref<1x32xf32, #tpu.memory_space<vmem>>, %arg4: memref<32x16xf32, #tpu.memory_space<vmem>>, %arg5: memref<1x16xf32, #tpu.memory_space<vmem>>, %arg6: memref<1x32xf32, #tpu.memory_space<vmem>>, %arg7: memref<4000x16xf32, #tpu.memory_space<vmem>>) attributes {dimension_semantics = [#tpu.dimension_semantics<arbitrary>], iteration_bounds = array<i64: 80>, scalar_prefetch = 0 : i64, scratch_operands = 0 : i64, tpu.core_type = #tpu.core_type<tc>, window_params = [{transform_indices = @transform_0, window_bounds = array<i64: 4000, 48>}, {pipeline_mode = #tpu.pipeline_mode<synchronous>, transform_indices = @transform_1, window_bounds = array<i64: 32, 32>}, {pipeline_mode = #tpu.pipeline_mode<synchronous>, transform_indices = @transform_2, window_bounds = array<i64: 1, 32>}, {pipeline_mode = #tpu.pipeline_mode<synchronous>, transform_indices = @transform_3, window_bounds = array<i64: 32, 16>}, {pipeline_mode = #tpu.pipeline_mode<synchronous>, transform_indices = @transform_4, window_bounds = array<i64: 1, 16>}, {pipeline_mode = #tpu.pipeline_mode<synchronous>, transform_indices = @transform_5, window_bounds = array<i64: 1, 32>}, {transform_indices = @transform_6, window_bounds = array<i64: 4000, 16>}]} {
    %get3A = arith.constant 0 : index
    %get3A_0 = arith.constant 0 : index
    %get3A_1 = vector.load %arg1[%get3A, %get3A_0] : memref<4000x48xf32, #tpu.memory_space<vmem>>, vector<4000x48xf32>
    %slice3A = vector.extract_strided_slice %get3A_1 {offsets = [0, 32], sizes = [4000, 4], strides = [1, 1]} : vector<4000x48xf32> to vector<4000x4xf32>
    %mul3A = arith.mulf %slice3A, %slice3A : vector<4000x4xf32>
    %reduce_sum3A = arith.constant dense<0.000000e+00> : vector<4000xf32>
    %reduce_sum3A_2 = vector.multi_reduction <add>, %mul3A, %reduce_sum3A [1] : vector<4000x4xf32> to vector<4000xf32>
    %broadcast_in_dim3A = vector.shape_cast %reduce_sum3A_2 : vector<4000xf32> to vector<4000x1xf32>
    %add3A = arith.constant 9.99999996E-13 : f32
    %add3A_3 = vector.broadcast %add3A : f32 to vector<4000x1xf32>
    %add3A_4 = arith.addf %broadcast_in_dim3A, %add3A_3 : vector<4000x1xf32>
    %sqrt3A = math.sqrt %add3A_4 : vector<4000x1xf32>
    %get3A_5 = arith.constant 0 : index
    %get3A_6 = arith.constant 0 : index
    %get3A_7 = vector.load %arg6[%get3A_5, %get3A_6] : memref<1x32xf32, #tpu.memory_space<vmem>>, vector<1x32xf32>
    %sub3A = vector.broadcast %sqrt3A : vector<4000x1xf32> to vector<4000x32xf32>
    %sub3A_8 = vector.broadcast %get3A_7 : vector<1x32xf32> to vector<4000x32xf32>
    %sub3A_9 = arith.subf %sub3A, %sub3A_8 : vector<4000x32xf32>
    %mul3A_10 = arith.constant -1.000000e+01 : f32
    %mul3A_11 = vector.broadcast %mul3A_10 : f32 to vector<4000x32xf32>
    %mul3A_12 = arith.mulf %mul3A_11, %sub3A_9 : vector<4000x32xf32>
    %mul3A_13 = arith.mulf %mul3A_12, %sub3A_9 : vector<4000x32xf32>
    %exp3A = math.exp %mul3A_13 : vector<4000x32xf32>
    %slice3A_14 = vector.extract_strided_slice %get3A_1 {offsets = [0, 0], sizes = [4000, 32], strides = [1, 1]} : vector<4000x48xf32> to vector<4000x32xf32>
    %get3A_15 = arith.constant 0 : index
    %get3A_16 = arith.constant 0 : index
    %get3A_17 = vector.load %arg2[%get3A_15, %get3A_16] : memref<32x32xf32, #tpu.memory_space<vmem>>, vector<32x32xf32>
    %dot_general3A = arith.constant dense<0.000000e+00> : vector<4000x32xf32>
    %dot_general3A_18 = tpu.matmul %exp3A, %get3A_17, %dot_general3A {dimension_numbers = #tpu.dot_dimension_numbers<[1], [0], [0], [1], [0, 0, 1, 1], [], []>, transpose_lhs_hint = false} : vector<4000x32xf32>, vector<32x32xf32>, vector<4000x32xf32> -> vector<4000x32xf32>
    %add3A_19 = arith.addf %slice3A_14, %dot_general3A_18 : vector<4000x32xf32>
    %get3A_20 = arith.constant 0 : index
    %get3A_21 = arith.constant 0 : index
    %get3A_22 = vector.load %arg3[%get3A_20, %get3A_21] : memref<1x32xf32, #tpu.memory_space<vmem>>, vector<1x32xf32>
    %add3A_23 = vector.broadcast %get3A_22 : vector<1x32xf32> to vector<4000x32xf32>
    %add3A_24 = arith.addf %add3A_19, %add3A_23 : vector<4000x32xf32>
    %logistic3A = arith.negf %add3A_24 : vector<4000x32xf32>
    %logistic3A_25 = math.exp %logistic3A : vector<4000x32xf32>
    %logistic3A_26 = arith.constant 1.000000e+00 : f32
    %logistic3A_27 = vector.broadcast %logistic3A_26 : f32 to vector<4000x32xf32>
    %logistic3A_28 = arith.addf %logistic3A_27, %logistic3A_25 : vector<4000x32xf32>
    %logistic3A_29 = arith.divf %logistic3A_27, %logistic3A_28 : vector<4000x32xf32>
    %mul3A_30 = arith.mulf %add3A_24, %logistic3A_29 : vector<4000x32xf32>
    %get3A_31 = arith.constant 0 : index
    %get3A_32 = arith.constant 0 : index
    %get3A_33 = vector.load %arg4[%get3A_31, %get3A_32] : memref<32x16xf32, #tpu.memory_space<vmem>>, vector<32x16xf32>
    %dot_general3A_34 = arith.constant dense<0.000000e+00> : vector<4000x16xf32>
    %dot_general3A_35 = tpu.matmul %mul3A_30, %get3A_33, %dot_general3A_34 {dimension_numbers = #tpu.dot_dimension_numbers<[1], [0], [0], [1], [0, 0, 1, 1], [], []>, transpose_lhs_hint = false} : vector<4000x32xf32>, vector<32x16xf32>, vector<4000x16xf32> -> vector<4000x16xf32>
    %get3A_36 = arith.constant 0 : index
    %get3A_37 = arith.constant 0 : index
    %get3A_38 = vector.load %arg5[%get3A_36, %get3A_37] : memref<1x16xf32, #tpu.memory_space<vmem>>, vector<1x16xf32>
    %add3A_39 = vector.broadcast %get3A_38 : vector<1x16xf32> to vector<4000x16xf32>
    %add3A_40 = arith.addf %dot_general3A_35, %add3A_39 : vector<4000x16xf32>
    %concatenate3A = tpu.concatenate %slice3A, %slice3A, %slice3A, %slice3A in 1 : vector<4000x4xf32>, vector<4000x4xf32>, vector<4000x4xf32>, vector<4000x4xf32> -> vector<4000x16xf32>
    %mul3A_41 = arith.mulf %add3A_40, %concatenate3A : vector<4000x16xf32>
    %swap3A = arith.constant 0 : index
    %swap3A_42 = arith.constant 0 : index
    %swap3A_43 = vector.load %arg7[%swap3A, %swap3A_42] : memref<4000x16xf32, #tpu.memory_space<vmem>>, vector<4000x16xf32>
    tpu.vector_store %arg7[%swap3A, %swap3A_42], %mul3A_41 {strides = array<i32>} : memref<4000x16xf32, #tpu.memory_space<vmem>>, vector<4000x16xf32>,
    return
  }
  func.func @transform_0(%arg0: i32) -> (i32, i32) {
    %c0_i32 = arith.constant 0 : i32
    %c0_i32_0 = arith.constant 0 : i32
    return %arg0, %c0_i32 : i32, i32
  }
  func.func @transform_1(%arg0: i32) -> (i32, i32) {
    %c0_i32 = arith.constant 0 : i32
    %c0_i32_0 = arith.constant 0 : i32
    %c0_i32_1 = arith.constant 0 : i32
    return %c0_i32, %c0_i32_0 : i32, i32
  }
  func.func @transform_2(%arg0: i32) -> (i32, i32) {
    %c0_i32 = arith.constant 0 : i32
    %c0_i32_0 = arith.constant 0 : i32
    %c0_i32_1 = arith.constant 0 : i32
    return %c0_i32, %c0_i32_0 : i32, i32
  }
  func.func @transform_3(%arg0: i32) -> (i32, i32) {
    %c0_i32 = arith.constant 0 : i32
    %c0_i32_0 = arith.constant 0 : i32
    %c0_i32_1 = arith.constant 0 : i32
    return %c0_i32, %c0_i32_0 : i32, i32
  }
  func.func @transform_4(%arg0: i32) -> (i32, i32) {
    %c0_i32 = arith.constant 0 : i32
    %c0_i32_0 = arith.constant 0 : i32
    %c0_i32_1 = arith.constant 0 : i32
    return %c0_i32, %c0_i32_0 : i32, i32
  }
  func.func @transform_5(%arg0: i32) -> (i32, i32) {
    %c0_i32 = arith.constant 0 : i32
    %c0_i32_0 = arith.constant 0 : i32
    %c0_i32_1 = arith.constant 0 : i32
    return %c0_i32, %c0_i32_0 : i32, i32
  }
  func.func @transform_6(%arg0: i32) -> (i32, i32) {
    %c0_i32 = arith.constant 0 : i32
    %c0_i32_0 = arith.constant 0 : i32
    return %arg0, %c0_i32 : i32, i32
  }
}

module attributes {stable_mosaic.version = 14 : i64} {
  func.func @_fin_body(%arg0: i32, %arg1: memref<1000x16xf32, #tpu.memory_space<vmem>>, %arg2: memref<1000x16xf32, #tpu.memory_space<vmem>>, %arg3: memref<1000x12xf32, #tpu.memory_space<vmem>>) attributes {dimension_semantics = [#tpu.dimension_semantics<arbitrary>], iteration_bounds = array<i64: 10>, scalar_prefetch = 0 : i64, scratch_operands = 0 : i64, tpu.core_type = #tpu.core_type<tc>, window_params = [{transform_indices = @transform_0, window_bounds = array<i64: 1000, 16>}, {transform_indices = @transform_1, window_bounds = array<i64: 1000, 16>}, {transform_indices = @transform_2, window_bounds = array<i64: 1000, 12>}]} {
    %get3A = arith.constant 0 : index
    %get3A_0 = arith.constant 0 : index
    %get3A_1 = vector.load %arg1[%get3A, %get3A_0] : memref<1000x16xf32, #tpu.memory_space<vmem>>, vector<1000x16xf32>
    %get3A_2 = arith.constant 0 : index
    %get3A_3 = arith.constant 0 : index
    %get3A_4 = vector.load %arg2[%get3A_2, %get3A_3] : memref<1000x16xf32, #tpu.memory_space<vmem>>, vector<1000x16xf32>
    %add3A = arith.addf %get3A_1, %get3A_4 : vector<1000x16xf32>
    %slice3A = vector.extract_strided_slice %add3A {offsets = [0, 0], sizes = [1000, 4], strides = [1, 1]} : vector<1000x16xf32> to vector<1000x4xf32>
    %slice3A_5 = vector.extract_strided_slice %add3A {offsets = [0, 4], sizes = [1000, 4], strides = [1, 1]} : vector<1000x16xf32> to vector<1000x4xf32>
    %slice3A_6 = vector.extract_strided_slice %add3A {offsets = [0, 8], sizes = [1000, 4], strides = [1, 1]} : vector<1000x16xf32> to vector<1000x4xf32>
    %mul3A = arith.mulf %slice3A, %slice3A : vector<1000x4xf32>
    %reduce_sum3A = arith.constant dense<0.000000e+00> : vector<1000xf32>
    %reduce_sum3A_7 = vector.multi_reduction <add>, %mul3A, %reduce_sum3A [1] : vector<1000x4xf32> to vector<1000xf32>
    %broadcast_in_dim3A = vector.shape_cast %reduce_sum3A_7 : vector<1000xf32> to vector<1000x1xf32>
    %sqrt3A = math.sqrt %broadcast_in_dim3A : vector<1000x1xf32>
    %add3A_8 = arith.constant 9.99999993E-9 : f32
    %add3A_9 = vector.broadcast %add3A_8 : f32 to vector<1000x1xf32>
    %add3A_10 = arith.addf %sqrt3A, %add3A_9 : vector<1000x1xf32>
    %div3A = vector.broadcast %add3A_10 : vector<1000x1xf32> to vector<1000x4xf32>
    %div3A_11 = arith.divf %slice3A, %div3A : vector<1000x4xf32>
    %mul3A_12 = arith.mulf %div3A_11, %slice3A_5 : vector<1000x4xf32>
    %reduce_sum3A_13 = arith.constant dense<0.000000e+00> : vector<1000xf32>
    %reduce_sum3A_14 = vector.multi_reduction <add>, %mul3A_12, %reduce_sum3A_13 [1] : vector<1000x4xf32> to vector<1000xf32>
    %broadcast_in_dim3A_15 = vector.shape_cast %reduce_sum3A_14 : vector<1000xf32> to vector<1000x1xf32>
    %mul3A_16 = vector.broadcast %broadcast_in_dim3A_15 : vector<1000x1xf32> to vector<1000x4xf32>
    %mul3A_17 = arith.mulf %mul3A_16, %div3A_11 : vector<1000x4xf32>
    %sub3A = arith.subf %slice3A_5, %mul3A_17 : vector<1000x4xf32>
    %mul3A_18 = arith.mulf %sub3A, %sub3A : vector<1000x4xf32>
    %reduce_sum3A_19 = arith.constant dense<0.000000e+00> : vector<1000xf32>
    %reduce_sum3A_20 = vector.multi_reduction <add>, %mul3A_18, %reduce_sum3A_19 [1] : vector<1000x4xf32> to vector<1000xf32>
    %broadcast_in_dim3A_21 = vector.shape_cast %reduce_sum3A_20 : vector<1000xf32> to vector<1000x1xf32>
    %sqrt3A_22 = math.sqrt %broadcast_in_dim3A_21 : vector<1000x1xf32>
    %add3A_23 = arith.constant 9.99999993E-9 : f32
    %add3A_24 = vector.broadcast %add3A_23 : f32 to vector<1000x1xf32>
    %add3A_25 = arith.addf %sqrt3A_22, %add3A_24 : vector<1000x1xf32>
    %div3A_26 = vector.broadcast %add3A_25 : vector<1000x1xf32> to vector<1000x4xf32>
    %div3A_27 = arith.divf %sub3A, %div3A_26 : vector<1000x4xf32>
    %mul3A_28 = arith.mulf %div3A_11, %slice3A_6 : vector<1000x4xf32>
    %reduce_sum3A_29 = arith.constant dense<0.000000e+00> : vector<1000xf32>
    %reduce_sum3A_30 = vector.multi_reduction <add>, %mul3A_28, %reduce_sum3A_29 [1] : vector<1000x4xf32> to vector<1000xf32>
    %broadcast_in_dim3A_31 = vector.shape_cast %reduce_sum3A_30 : vector<1000xf32> to vector<1000x1xf32>
    %mul3A_32 = vector.broadcast %broadcast_in_dim3A_31 : vector<1000x1xf32> to vector<1000x4xf32>
    %mul3A_33 = arith.mulf %mul3A_32, %div3A_11 : vector<1000x4xf32>
    %sub3A_34 = arith.subf %slice3A_6, %mul3A_33 : vector<1000x4xf32>
    %mul3A_35 = arith.mulf %div3A_27, %sub3A_34 : vector<1000x4xf32>
    %reduce_sum3A_36 = arith.constant dense<0.000000e+00> : vector<1000xf32>
    %reduce_sum3A_37 = vector.multi_reduction <add>, %mul3A_35, %reduce_sum3A_36 [1] : vector<1000x4xf32> to vector<1000xf32>
    %broadcast_in_dim3A_38 = vector.shape_cast %reduce_sum3A_37 : vector<1000xf32> to vector<1000x1xf32>
    %mul3A_39 = vector.broadcast %broadcast_in_dim3A_38 : vector<1000x1xf32> to vector<1000x4xf32>
    %mul3A_40 = arith.mulf %mul3A_39, %div3A_27 : vector<1000x4xf32>
    %sub3A_41 = arith.subf %sub3A_34, %mul3A_40 : vector<1000x4xf32>
    %mul3A_42 = arith.mulf %sub3A_41, %sub3A_41 : vector<1000x4xf32>
    %reduce_sum3A_43 = arith.constant dense<0.000000e+00> : vector<1000xf32>
    %reduce_sum3A_44 = vector.multi_reduction <add>, %mul3A_42, %reduce_sum3A_43 [1] : vector<1000x4xf32> to vector<1000xf32>
    %broadcast_in_dim3A_45 = vector.shape_cast %reduce_sum3A_44 : vector<1000xf32> to vector<1000x1xf32>
    %sqrt3A_46 = math.sqrt %broadcast_in_dim3A_45 : vector<1000x1xf32>
    %add3A_47 = arith.constant 9.99999993E-9 : f32
    %add3A_48 = vector.broadcast %add3A_47 : f32 to vector<1000x1xf32>
    %add3A_49 = arith.addf %sqrt3A_46, %add3A_48 : vector<1000x1xf32>
    %div3A_50 = vector.broadcast %add3A_49 : vector<1000x1xf32> to vector<1000x4xf32>
    %div3A_51 = arith.divf %sub3A_41, %div3A_50 : vector<1000x4xf32>
    %concatenate3A = tpu.concatenate %div3A_11, %div3A_27, %div3A_51 in 1 : vector<1000x4xf32>, vector<1000x4xf32>, vector<1000x4xf32> -> vector<1000x12xf32>
    %swap3A = arith.constant 0 : index
    %swap3A_52 = arith.constant 0 : index
    %swap3A_53 = vector.load %arg3[%swap3A, %swap3A_52] : memref<1000x12xf32, #tpu.memory_space<vmem>>, vector<1000x12xf32>
    tpu.vector_store %arg3[%swap3A, %swap3A_52], %concatenate3A {strides = array<i32>} : memref<1000x12xf32, #tpu.memory_space<vmem>>, vector<1000x12xf32>,
    return
  }
  func.func @transform_0(%arg0: i32) -> (i32, i32) {
    %c0_i32 = arith.constant 0 : i32
    %c0_i32_0 = arith.constant 0 : i32
    return %arg0, %c0_i32 : i32, i32
  }
  func.func @transform_1(%arg0: i32) -> (i32, i32) {
    %c0_i32 = arith.constant 0 : i32
    %c0_i32_0 = arith.constant 0 : i32
    return %arg0, %c0_i32 : i32, i32
  }
  func.func @transform_2(%arg0: i32) -> (i32, i32) {
    %c0_i32 = arith.constant 0 : i32
    %c0_i32_0 = arith.constant 0 : i32
    return %arg0, %c0_i32 : i32, i32
  }
}

</mosaic_0001>

<sc_bundles>
// kernel: kernel.10.cloned.1.call-start
scs
__scs_entry_jumppad:
0x0: {  	(pc) =	sbr.rel $0x88, $3  }
0x1: {  	(tag) =	ssettag $0x0;
	lr =	simm.s32 $0x1  }
0x2: {  	[smem:$0x3F9A] =	sst lr;
	_ =	strace $0xD0000000  }
0x3: {  	_ = 	snop  }
0x4: {  	_ = 	snop  }
0x5: {  	_ = 	snop  }
0x6: {  	_ = 	snop  }
0x7: {  	_ = 	snop  }
__scs_overlays_trampoline_lowered:
0x8: {  	[smem:$0x3FA9] =	sst s0  }
0x9: {  	[smem:$0x3FAA] =	sst s1  }
0xa: {  	[smem:$0x3FAB] =	sst s2  }
0xb: {  	[smem:$0x3FAC] =	sst s3  }
0xc: {  	[smem:$0x3FAD] =	sst s4  }
0xd: {  	[smem:$0x3FAE] =	sst s5  }
0xe: {  	[smem:$0x3FAF] =	sst s6  }
0xf: {  	[smem:$0x3FB0] =	sst s7  }
0x10: {  	[smem:$0x3FB1] =	sst s8  }
0x11: {  	[smem:$0x3FB2] =	sst s9;
	s0 =	simm.s32 @!p0 $0x0  }
0x12: {  	s1 =	sld [smem:$0x3F98];
	s0 =	simm.s32 @p0 $0x1  }
0x13: {  	[smem:$0x3FB3] =	sst s0;
	s0 =	simm.s32 @!p1 $0x0  }
0x14: {  	s2 =	sld [smem:$0x3F97];
	s0 =	simm.s32 @p1 $0x1  }
0x15: {  	[smem:$0x3FB4] =	sst s0;
	s0 =	simm.s32 @!p2 $0x0  }
0x16: {  	s3 =	sld [smem:$0x3FDB];
	s0 =	simm.s32 @p2 $0x1  }
0x17: {  	s4 =	simm.s32 $0x1BF5;
	[smem:$0x3FB6] =	sst s0  }
0x18: {  	s0 =	sld [smem:$0x3F99];
	_ =	swait.ge [sflag:s4], $0x0  }
0x19: {  	s7 =	sld [smem:$0x3F9A]  }
0x1a: {  	s8 =	sadd.s32 $0xFFFFE003, lr  }
0x1b: {  	s9 =	sadd.s32 $0xFFFFFEF7, lr;
	s5 =	simm.s32 $0xFFFFFFFF;
	p2 =	slt.u32 s8, $0xFFFFF086  }
0x1c: {  	p1 =	slt.u32 s9, $0xF7A;
	s5 =	simm.s32 @!p2 $0x0  }
0x1d: {  	s5 =	simm.s32 @p1 $0x1;
	p0 =	seq.s32 s7, s2  }
0x1e: {  	s7 =	smul.u32 @!p0 $0xF7A, s2;
	p2 =	seq.s32 @!p0 s5, $0x0  }
0x1f: {  	s9 =	smul.u32 $0xF7A, s1;
	s8 =	simm.s32 @!p0 $0x1BF5;
	p2 =	por !p2, p0  }
0x20: {  	[sflag:s8] =	ssyncset.s32 @!p0 $0xFFFFF086;
	s6 =	sadd.s32 @!p0 s3, s7;
	s7 =	simm.s32 @!p0 $0x108  }
0x21: {  	s3 =	sadd.s32 s3, s9;
	s6 =	sadd.s32 @!p0 $0x88, s6;
	s7 =	simm.s32 @p2 $0x1082  }
0x22: {  	[simem:s7], [sflag:s8] =	dma.local @!p0 [hbm:s6], $0xF7A  }
0x23: {  	s9 =	sor.u32 $0xD0000000, s2;
	s6 =	simm.s32 $0x108;
	_ =	swait.ge @!p0 [sflag:s8], $0x0  }
0x24: {  	s3 =	sadd.s32 $0x88, s3;
	s6 =	simm.s32 @!p1 $0x1082;
	[sflag:s4] =	ssyncset.s32 $0xFFFFF086  }
0x25: {  	[simem:s6], [sflag:s4] =	dma.local [hbm:s3], $0xF7A  }
0x26: {  	[smem:$0x3F9A] =	sst s1;
	(tag) =	ssettag s2;
	_ =	strace s9  }
0x27: {  	s1 =	sld [smem:$0x3FAA]  }
0x28: {  	s2 =	sld [smem:$0x3FAB]  }
0x29: {  	s4 =	sld [smem:$0x3FAD]  }
0x2a: {  	p0 =	seq.s32 s5, $0x0;
	s5 =	sld [smem:$0x3FAE]  }
0x2b: {  	s6 =	sld [smem:$0x3FAF]  }
0x2c: {  	s7 =	sld [smem:$0x3FB0]  }
0x2d: {  	s3 =	simm.s32 $0x108;
	s8 =	sld [smem:$0x3FB1]  }
0x2e: {  	s3 =	simm.s32 @!p0 $0x1082;
	s9 =	sld [smem:$0x3FB2]  }
0x2f: {  	lr =	sadd.s32 s0, s3;
	s0 =	sld [smem:$0x3FA9]  }
0x30: {  	s3 =	sld [smem:$0x3FAC]  }
0x31: {  	[smem:$0x3FB5] =	sst s10  }
0x32: {  	s10 =	sld [smem:$0x3FB3];
	_ =	sdelay $0x3  }
0x33: {  	p0 =	seq.s32 s10, $0x1;
	s10 =	sld [smem:$0x3FB5];
	_ =	sdelay $0x3  }
0x34: {  	[smem:$0x3FB5] =	sst s10  }
0x35: {  	s10 =	sld [smem:$0x3FB4];
	_ =	sdelay $0x3  }
0x36: {  	p1 =	seq.s32 s10, $0x1;
	s10 =	sld [smem:$0x3FB5];
	_ =	sdelay $0x3  }
0x37: {  	[smem:$0x3FB5] =	sst s10  }
0x38: {  	s10 =	sld [smem:$0x3FB6]  }
0x39: {  	_ = 	snop;
	(pc) =	sbr.ind lr, $3  }
0x3a: {  	_ = 	snop  }
0x3b: {  	_ = 	snop  }
0x3c: {  	p2 =	seq.s32 s10, $0x1;
	s10 =	sld [smem:$0x3FB5]  }
0x3d: {  	_ =	shalt  }
0x3e: {  	_ =	shalt  }
0x3f: {  	_ =	shalt  }
0x40: {  	_ =	shalt  }
0x41: {  	_ =	shalt  }
0x42: {  	_ =	shalt  }
0x43: {  	_ =	shalt  }
0x44: {  	_ =	shalt  }
0x45: {  	_ =	shalt  }
0x46: {  	_ =	shalt  }
0x47: {  	_ =	shalt  }
0x48: {  	_ =	shalt  }
0x49: {  	_ =	shalt  }
0x4a: {  	_ =	shalt  }
0x4b: {  	_ =	shalt  }
0x4c: {  	_ =	shalt  }
0x4d: {  	_ =	shalt  }
0x4e: {  	_ =	shalt  }
0x4f: {  	_ =	shalt  }
0x50: {  	_ =	shalt  }
0x51: {  	_ =	shalt  }
0x52: {  	_ =	shalt  }
0x53: {  	_ =	shalt  }
0x54: {  	_ =	shalt  }
0x55: {  	_ =	shalt  }
0x56: {  	_ =	shalt  }
0x57: {  	_ =	shalt  }
0x58: {  	_ =	shalt  }
0x59: {  	_ =	shalt  }
0x5a: {  	_ =	shalt  }
0x5b: {  	_ =	shalt  }
0x5c: {  	_ =	shalt  }
0x5d: {  	_ =	shalt  }
0x5e: {  	_ =	shalt  }
0x5f: {  	_ =	shalt  }
0x60: {  	_ =	shalt  }
0x61: {  	_ =	shalt  }
0x62: {  	_ =	shalt  }
0x63: {  	_ =	shalt  }
0x64: {  	_ =	shalt  }
0x65: {  	_ =	shalt  }
0x66: {  	_ =	shalt  }
0x67: {  	_ =	shalt  }
0x68: {  	_ =	shalt  }
0x69: {  	_ =	shalt  }
0x6a: {  	_ =	shalt  }
0x6b: {  	_ =	shalt  }
0x6c: {  	_ =	shalt  }
0x6d: {  	_ =	shalt  }
0x6e: {  	_ =	shalt  }
0x6f: {  	_ =	shalt  }
0x70: {  	_ =	shalt  }
0x71: {  	_ =	shalt  }
0x72: {  	_ =	shalt  }
0x73: {  	_ =	shalt  }
0x74: {  	_ =	shalt  }
0x75: {  	_ =	shalt  }
0x76: {  	_ =	shalt  }
0x77: {  	_ =	shalt  }
0x78: {  	_ =	shalt  }
0x79: {  	_ =	shalt  }
0x7a: {  	_ =	shalt  }
0x7b: {  	_ =	shalt  }
0x7c: {  	_ =	shalt  }
0x7d: {  	_ =	shalt  }
0x7e: {  	_ =	shalt  }
0x7f: {  	_ =	shalt  }
0x80: {  	_ =	shalt  }
0x81: {  	_ =	shalt  }
0x82: {  	_ =	shalt  }
0x83: {  	_ =	shalt  }
0x84: {  	_ =	shalt  }
0x85: {  	_ =	shalt  }
0x86: {  	_ =	shalt  }
0x87: {  	_ =	shalt  }
.Lfunc_end0:
.L_simem_size_0:
called_computation.1_lowered:
.L_overlay_start_0:
0x88: {  	s2 =	sld [smem:$0x3FD9]  }
0x89: {  	s3 =	sld [smem:$0x3FFE];
	_ =	sdelay $0x1  }
0x8a: {  	s1 =	srdreg.scid  }
0x8b: {  	s0 =	sand.u32 $0x1, s1  }
0x8c: {  	s16 =	sshll.u32 s0, $0xA;
	s2 =	sadd.s32 s3, s2  }
0x8d: {  	s2 =	sadd.s32 s2, s16  }
0x8e: {  	[smem:$0x3FC1] =	sst s2  }
0x8f: {  	_ = 	snop  }
0x90: {  	(tm) =	ssettm $0x1  }
0x91: {  	s17 =	sld [smem:$0x3FFB];
	_ =	sdelay $0x3  }
0x92: {  	_ =	strace s17  }
0x93: {  	s2 =	sld [smem:$0x3FFC];
	_ =	sdelay $0x3  }
0x94: {  	_ =	strace s2  }
0x95: {  	s2 =	sld [smem:$0x3FFD];
	_ =	sdelay $0x3  }
0x96: {  	_ =	strace s2  }
0x97: {  	_ =	strace $0x8FFFFFFF  }
0x98: {  	s18 =	sld [smem:$0x3FDB];
	_ =	sdelay $0x1  }
0x99: {  	s19 =	simm.s32 $_scs_section_size  }
0x9a: {  	s4 =	simm.s32 $_size__tile_overlayer_lowered;
	s5 =	simm.s32 $_tile_overlayer_lowered  }
0x9b: {  	s22 =	simm.s32 $0x1BFF;
	s21 =	sshll.u32 s5, $0x1;
	s2 =	sadd.s32 s19, s18  }
0x9c: {  	s6 =	simm.s32 $0x0;
	s20 =	sshll.u32 s4, $0x1;
	s4 =	sadd.s32 s21, s2  }
0x9d: {  	[timem:s6], [sflag:s22] =	dma.local [hbm:s4], s20  }
0x9e: {  	_ =	swait.ge [sflag:s22], s20  }
0x9f: {  	s3 =	ssub.s32 $0x0, s20;
	[sflag:s22] =	ssyncset.done $0x0  }
0xa0: {  	[sflag:s22] =	ssyncadd.s32 s3;
	_ =	sdelay $0x1  }
0xa1: {  	s23 =	simm.s32 $0x1B8B  }
0xa2: {  	_ =	swait.ge [sflag:s23], $0x1  }
0xa3: {  	[sflag:s23] =	ssyncset.done $0x0  }
0xa4: {  	s25 =	simm.s32 $0x1B8E;
	s24 =	sld [smem:$0x3FFE];
	[sflag:s23] =	ssyncadd.s32 $0xFFFFFFFF  }
0xa5: {  	s26 =	simm.s32 $execute0_lowered;
	[smem:$0x3FD2] =	sst s25  }
0xa6: {  	s4 =	sshll.u32 s26, $0x1;
	_ =	strace $0x80000049;
	[dreg:$0x1] =	wrdreg $0xFFFFFFFF  }
0xa7: {  	s28 =	simm.s32 $_size_execute0_lowered;
	s2 =	sadd.s32 s2, s4;
	[dreg:$0x0] =	wrdreg $0x0  }
0xa8: {  	s4 =	sshll.u32 s28, $0x1;
	[dreg:$0x2] =	wrdreg s2  }
0xa9: {  	[dreg:$0x3] =	wrdreg s4  }
0xaa: {  	[dreg:$0x4] =	wrdreg $0xC0  }
0xab: {  	_ =	task [dreg:s6], $0x5FFFF  }
0xac: {  	[dreg:$0x1] =	wrdreg $0xFFFFFFFF  }
0xad: {  	[dreg:$0x0] =	wrdreg $0x60  }
0xae: {  	[dreg:$0x2] =	wrdreg s24  }
0xaf: {  	[dreg:$0x3] =	wrdreg $0x0  }
0xb0: {  	[dreg:$0x4] =	wrdreg $0x9  }
0xb1: {  	_ =	task.clear_ibuf [dreg:s6], $0x5FFFF;
	_ =	strace $0x90000049  }
0xb2: {  	s29 =	simm.s32 $0x9;
	_ =	strace $0x8000004B  }
0xb3: {  	_ =	swait.ge [sflag:s29], $0x1  }
0xb4: {  	[sflag:s29] =	ssyncadd.s32 $0xFFFFFFFF  }
0xb5: {  	_ =	strace $0x9000004B  }
0xb6: {  	_ =	sfence  }
0xb7: {  	s30 =	sld [smem:$0x0];
	_ =	sdelay $0x2  }
0xb8: {  	s31 =	sshll.u32 s1, $0xD;
	s1 =	sshrl.u32 s1, $0x2  }
0xb9: {  	s3 =	sand.u32 $0x4000, s31;
	s1 =	sadd.s32 s1, s30  }
0xba: {  	s0 =	sor.u32 s3, s0;
	s1 =	sshll.u32 s1, $0x11  }
0xbb: {  	s0 =	sor.u32 s1, s0  }
0xbc: {  	s0 =	sadd.s32 $0x8F2B, s0  }
0xbd: {  	[sflag:s0] =	ssyncadd.remote.s32 $0x1  }
0xbe: {  	_ =	sfence.sel $0xFFFF  }
0xbf: {  	[dreg:$0x0] =	wrdreg $0xFFFFFFFF;
	(pc) =	sbr.abs _section_cstart, $3  }
0xc0: {  	[dreg:$0x1] =	wrdreg $0xFFFFFFFF  }
0xc1: {  	_ =	task.clear_ibuf [dreg:s6], $0x2FFFF;
	_ =	strace $0x9FFFFFFF  }
0xc2: {  	(tm) =	ssettm $0x7FFFFFFF  }
0xc3: {  	_ =	shalt  }
tec
execute0_lowered:
.L_overlay_start_1:
0x0: {  	(tag) =	ssettag $0x1  }
0x1: {  	s4 =	rddreg [dreg:$0x0]  }
0x2: {  	s2 =	rddreg [dreg:$0x1]  }
0x3: {  	s0 =	rddreg [dreg:$0x2]  }
0x4: {  	s1 =	stileid.u32;
	s5 =	srdreg.scid  }
0x5: {  	s3 =	simm.s32 $0x0;
	s6 =	smul.u32 $0x2710, s1;
	s8 =	sand.u32 $0x1, s5  }
0x6: {  	[smem:$0x7FF] =	sst s3;
	s24 =	sshll.u32 s1, $0x9;
	s25 =	sshll.u32 s1, $0x5  }
0x7: {  	s29 =	sshll.u32 s1, $0x6;
	s7 =	smul.u32 $0x27100, s8;
	_ =	strace $0x8000004A  }
0x8: {  	s9 =	sadd.s32 s24, s4;
	s10 =	sadd.s32 s25, s4;
	s28 =	ssub.s32 $0x2, s8  }
0x9: {  	s30 =	sshll.u32 s8, $0x8;
	s31 =	sshll.u32 s8, $0x4;
	s11 =	sshrl.u32 s6, $0x3  }
0xa: {  	s12 =	sshrl.u32 s28, $0x1;
	s14 =	sadd.s32 s6, s2;
	s9 =	sadd.s32 s30, s9  }
0xb: {  	s10 =	sadd.s32 s31, s10;
	s26 =	sadd.s32 s6, s7;
	s11 =	sadd.s32 s11, s4  }
0xc: {  	s12 =	ssub.s32 s28, s12;
	s6 =	sor.u32 $0x1C01, s29;
	s9 =	sadd.s32 $0x32C00, s9  }
0xd: {  	s10 =	sadd.s32 $0x28E00, s10;
	s5 =	sshrl.u32 s26, $0x3;
	s8 =	smax.u32 s12, $0x1  }
0xe: {  	s12 =	simm.s32 $0x1;
	s13 =	sadd.s32 s5, s4;
	s4 =	sshll.u32 s1, $0x1  }
0xf: {  	s5 =	sadd.s32 $0x1800, s11;
	s11 =	sshrl.u32 s14, $0x3;
	s7 =	sadd.s32 $0x6800, s13  }
.LBB2_1:
0x10: {  	[spmem:s11], [sflag:s6] =	dma.local [hbm:s5], $0x4E2  }
0x11: {  	s13 =	sadd.s32 $0x0, s4;
	_ =	swait.ge [sflag:s12], $0x4E2  }
0x12: {  	p0 =	sgt.u32 s13, $0x9C3;
	[sflag:s12] =	ssyncset.done $0x0  }
0x13: {  	s13 =	simm.s32 @!p0 $0x0;
	[sflag:s12] =	ssyncadd.s32 $0xFFFFFB1E  }
0x14: {  	s14 =	simm.s32 @!p0 $0x2710;
	s16 =	simm.s32 @!p0 $0x2;
	[bflag:$0x0] =	sbarrier.arrive $0xFFFF  }
0x15: {  	[tilespmem:s14], [sflag:$0x2] =	stream.linear.gather @!p0 [hbm4b:s10+s13], $0x80, $0x38;
	[tilespmem:$0x2F90] =	vst v63  }
0x16: {  	_ =	swait.ge @!p0 [sflag:s16], $0x80;
	p0 =	por p0, p0  }
0x17: {  	[sflag:s16] =	ssyncset.done @!p0 $0x0  }
0x18: {  	s17 =	simm.s32 @!p0 $0x2790;
	[sflag:s16] =	ssyncadd.s32 @!p0 $0xFFFFFF80  }
0x19: {  	[tilespmem:s17], [sflag:$0x2] =	stream.linear.gather @!p0 [hbm4b:s9+s13], $0x800, $0x38;
	[tilespmem:$0x2F90] =	vst v63  }
0x1a: {  	s31 =	sadd.s32 $0x20, s4;
	_ =	swait.ge @!p0 [sflag:s16], $0x800  }
0x1b: {  	s15 =	simm.s32 $0x40;
	p1 =	sgt.u32 s31, $0x9C3;
	[sflag:s16] =	ssyncset.done @!p0 $0x0  }
0x1c: {  	s13 =	simm.s32 @!p0 $0x80;
	[sflag:s16] =	ssyncadd.s32 @!p0 $0xFFFFF800;
	s16 =	simm.s32 @!p0 $0x1  }
0x1d: {  	[spmem:s2] =	stream.indirect.scatter.add.f32 @!p0 [tilespmem:s17], [sflag:$0x1], $0x10, s14, s13, $0xb8;
	[tilespmem:$0x2F90] =	vst v63  }
0x1e: {  	s14 =	sadd.s32 $0x200, s10;
	s13 =	sadd.s32 $0x2000, s9;
	_ =	swait.ge @!p0 [sflag:s16], $0x800  }
.LBB2_2:
0x1f: {  	s17 =	simm.s32 @!p1 $0x0  }
0x20: {  	s18 =	simm.s32 @!p1 $0x2710;
	[sflag:s16] =	ssyncset.done @!p0 $0x0;
	s19 =	smov.u32 s15  }
0x21: {  	s15 =	sadd.s32 $0x20, s15;
	s20 =	simm.s32 @!p1 $0x2;
	[sflag:s16] =	ssyncadd.s32 @!p0 $0xFFFFF800  }
0x22: {  	[tilespmem:s18], [sflag:$0x2] =	stream.linear.gather @!p1 [hbm4b:s14+s17], $0x80, $0x38;
	[tilespmem:$0x2F90] =	vst v63  }
0x23: {  	p2 =	sne.s32 s15, $0x9E0;
	p0 =	por p1, p1;
	_ =	swait.ge @!p1 [sflag:s20], $0x80  }
0x24: {  	[sflag:s20] =	ssyncset.done @!p0 $0x0  }
0x25: {  	s21 =	simm.s32 @!p0 $0x2790;
	[sflag:s20] =	ssyncadd.s32 @!p0 $0xFFFFFF80  }
0x26: {  	[tilespmem:s21], [sflag:$0x2] =	stream.linear.gather @!p0 [hbm4b:s13+s17], $0x800, $0x38;
	[tilespmem:$0x2F90] =	vst v63  }
.Ltmp0:
0x27: {  	_ =	swait.ge @!p0 [sflag:s20], $0x800;
	(pc) =	sbr.rel @p2 .LBB2_2-.Ltmp0, $4  }
0x28: {  	s16 =	simm.s32 @!p0 $0x1;
	s14 =	sadd.s32 $0x200, s14;
	[sflag:s20] =	ssyncset.done @!p0 $0x0  }
0x29: {  	s17 =	sadd.s32 s19, s4;
	s19 =	simm.s32 @!p0 $0x80;
	[sflag:s20] =	ssyncadd.s32 @!p0 $0xFFFFF800  }
0x2a: {  	[spmem:s2] =	stream.indirect.scatter.add.f32 @!p0 [tilespmem:s21], [sflag:$0x1], $0x10, s18, s19, $0xb8;
	[tilespmem:$0x2F90] =	vst v63  }
0x2b: {  	s13 =	sadd.s32 $0x2000, s13;
	p1 =	sgt.u32 s17, $0x9C3;
	_ =	swait.ge @!p0 [sflag:s16], $0x800  }
0x2c: {  	s15 =	simm.s32 @!p1 $0x0;
	[sflag:s16] =	ssyncset.done @!p0 $0x0  }
0x2d: {  	s17 =	simm.s32 @!p1 $0x2710;
	s18 =	simm.s32 @!p1 $0x2;
	[sflag:s16] =	ssyncadd.s32 @!p0 $0xFFFFF800  }
0x2e: {  	[tilespmem:s17], [sflag:$0x2] =	stream.linear.gather @!p1 [hbm4b:s14+s15], $0x80, $0x38;
	[tilespmem:$0x2F90] =	vst v63  }
0x2f: {  	p0 =	por p1, p1;
	_ =	swait.ge @!p1 [sflag:s18], $0x80  }
0x30: {  	[sflag:s18] =	ssyncset.done @!p0 $0x0  }
0x31: {  	s14 =	simm.s32 @!p0 $0x2790;
	[sflag:s18] =	ssyncadd.s32 @!p0 $0xFFFFFF80  }
0x32: {  	[tilespmem:s14], [sflag:$0x2] =	stream.linear.gather @!p0 [hbm4b:s13+s15], $0x800, $0x38;
	[tilespmem:$0x2F90] =	vst v63  }
0x33: {  	_ =	swait.ge @!p0 [sflag:s18], $0x800  }
0x34: {  	[sflag:s18] =	ssyncset.done @!p0 $0x0  }
0x35: {  	s13 =	simm.s32 @!p0 $0x1;
	s15 =	simm.s32 @!p0 $0x80;
	[sflag:s18] =	ssyncadd.s32 @!p0 $0xFFFFF800  }
0x36: {  	[spmem:s2] =	stream.indirect.scatter.add.f32 @!p0 [tilespmem:s14], [sflag:$0x1], $0x10, s17, s15, $0xb8;
	[tilespmem:$0x2F90] =	vst v63  }
0x37: {  	_ =	swait.ge @!p0 [sflag:s13], $0x800  }
0x38: {  	s3 =	sadd.s32 $0x1, s3;
	[sflag:s13] =	ssyncset.done @!p0 $0x0  }
0x39: {  	[sflag:s13] =	ssyncadd.s32 @!p0 $0xFFFFF800;
	p0 =	sne.s32 s3, s8  }
.Ltmp1:
0x3a: {  	[bflag:$0x0] =	sbarrier.arrive $0xFFFF;
	(pc) =	sbr.rel @p0 .LBB2_1-.Ltmp1, $4  }
0x3b: {  	[hbm:s7], [sflag:s6] =	dma.local [spmem:s11], $0x4E2  }
0x3c: {  	_ =	swait.ge [sflag:s12], $0x4E2  }
0x3d: {  	[sflag:s12] =	ssyncset.done $0x0  }
0x3e: {  	[sflag:s12] =	ssyncadd.s32 $0xFFFFFB1E  }
0x3f: {  	_ =	sfence.sel $0x180000  }
0x40: {  	[bflag:$0x0] =	sbarrier.arrive $0xFFFF  }
0x41: {  	p0 =	sne.s32 s1, $0x0;
	_ =	strace $0x9000004A  }
0x42: {  	s0 =	sadd.s32 @!p0 $0x100000, s0;
	[bflag:$0x2] =	sbarrier.arrive $0xFFFF  }
0x43: {  	[sflag:s0] =	ssyncadd.tile.s32 @!p0 $0x1;
	_ =	shalt  }
.Lfunc_end2:
_tile_overlayer_lowered:
.L_overlay_start_2:
0x44: {  	(tag) =	ssettag $0x2  }
0x45: {  	s0 =	rddreg [dreg:$0x0];
	s2 =	stileid.u32  }
0x46: {  	s1 =	rddreg [dreg:$0x1];
	p0 =	sne.s32 s2, $0x0  }
0x47: {  	s3 =	rddreg [dreg:$0x2];
	[bflag:$0x3] =	sbarrier.arrive $0xFFFF;
	s2 =	simm.s32 @!p0 $0x1C01  }
0x48: {  	[timem:s3], [sflag:s2] =	dma.local @!p0 [hbm:s0], s1  }
0x49: {  	s0 =	simm.s32 @!p0 $0x1  }
0x4a: {  	_ =	swait.ge @!p0 [sflag:s0], s1  }
0x4b: {  	s1 =	ssub.s32 @!p0 $0x0, s1;
	[sflag:s0] =	ssyncset.done @!p0 $0x0  }
0x4c: {  	[sflag:s0] =	ssyncadd.s32 @!p0 s1  }
0x4d: {  	[bflag:$0x3] =	sbarrier.arrive $0xFFFF  }
0x4e: {  	_ =	shalt  }

// kernel: kernel.7.cloned.1.call-start
scs
__scs_entry_jumppad:
0x0: {  	(pc) =	sbr.rel $0x88, $3  }
0x1: {  	(tag) =	ssettag $0x0;
	lr =	simm.s32 $0x1  }
0x2: {  	[smem:$0x3F9A] =	sst lr;
	_ =	strace $0xD0000000  }
0x3: {  	_ = 	snop  }
0x4: {  	_ = 	snop  }
0x5: {  	_ = 	snop  }
0x6: {  	_ = 	snop  }
0x7: {  	_ = 	snop  }
__scs_overlays_trampoline_lowered:
0x8: {  	[smem:$0x3FA9] =	sst s0  }
0x9: {  	[smem:$0x3FAA] =	sst s1  }
0xa: {  	[smem:$0x3FAB] =	sst s2  }
0xb: {  	[smem:$0x3FAC] =	sst s3  }
0xc: {  	[smem:$0x3FAD] =	sst s4  }
0xd: {  	[smem:$0x3FAE] =	sst s5  }
0xe: {  	[smem:$0x3FAF] =	sst s6  }
0xf: {  	[smem:$0x3FB0] =	sst s7  }
0x10: {  	[smem:$0x3FB1] =	sst s8  }
0x11: {  	[smem:$0x3FB2] =	sst s9;
	s0 =	simm.s32 @!p0 $0x0  }
0x12: {  	s1 =	sld [smem:$0x3F98];
	s0 =	simm.s32 @p0 $0x1  }
0x13: {  	[smem:$0x3FB3] =	sst s0;
	s0 =	simm.s32 @!p1 $0x0  }
0x14: {  	s2 =	sld [smem:$0x3F97];
	s0 =	simm.s32 @p1 $0x1  }
0x15: {  	[smem:$0x3FB4] =	sst s0;
	s0 =	simm.s32 @!p2 $0x0  }
0x16: {  	s3 =	sld [smem:$0x3FDB];
	s0 =	simm.s32 @p2 $0x1  }
0x17: {  	s4 =	simm.s32 $0x1BF5;
	[smem:$0x3FB6] =	sst s0  }
0x18: {  	s0 =	sld [smem:$0x3F99];
	_ =	swait.ge [sflag:s4], $0x0  }
0x19: {  	s7 =	sld [smem:$0x3F9A]  }
0x1a: {  	s8 =	sadd.s32 $0xFFFFE003, lr  }
0x1b: {  	s9 =	sadd.s32 $0xFFFFFEF7, lr;
	s5 =	simm.s32 $0xFFFFFFFF;
	p2 =	slt.u32 s8, $0xFFFFF086  }
0x1c: {  	p1 =	slt.u32 s9, $0xF7A;
	s5 =	simm.s32 @!p2 $0x0  }
0x1d: {  	s5 =	simm.s32 @p1 $0x1;
	p0 =	seq.s32 s7, s2  }
0x1e: {  	s7 =	smul.u32 @!p0 $0xF7A, s2;
	p2 =	seq.s32 @!p0 s5, $0x0  }
0x1f: {  	s9 =	smul.u32 $0xF7A, s1;
	s8 =	simm.s32 @!p0 $0x1BF5;
	p2 =	por !p2, p0  }
0x20: {  	[sflag:s8] =	ssyncset.s32 @!p0 $0xFFFFF086;
	s6 =	sadd.s32 @!p0 s3, s7;
	s7 =	simm.s32 @!p0 $0x108  }
0x21: {  	s3 =	sadd.s32 s3, s9;
	s6 =	sadd.s32 @!p0 $0x88, s6;
	s7 =	simm.s32 @p2 $0x1082  }
0x22: {  	[simem:s7], [sflag:s8] =	dma.local @!p0 [hbm:s6], $0xF7A  }
0x23: {  	s9 =	sor.u32 $0xD0000000, s2;
	s6 =	simm.s32 $0x108;
	_ =	swait.ge @!p0 [sflag:s8], $0x0  }
0x24: {  	s3 =	sadd.s32 $0x88, s3;
	s6 =	simm.s32 @!p1 $0x1082;
	[sflag:s4] =	ssyncset.s32 $0xFFFFF086  }
0x25: {  	[simem:s6], [sflag:s4] =	dma.local [hbm:s3], $0xF7A  }
0x26: {  	[smem:$0x3F9A] =	sst s1;
	(tag) =	ssettag s2;
	_ =	strace s9  }
0x27: {  	s1 =	sld [smem:$0x3FAA]  }
0x28: {  	s2 =	sld [smem:$0x3FAB]  }
0x29: {  	s4 =	sld [smem:$0x3FAD]  }
0x2a: {  	p0 =	seq.s32 s5, $0x0;
	s5 =	sld [smem:$0x3FAE]  }
0x2b: {  	s6 =	sld [smem:$0x3FAF]  }
0x2c: {  	s7 =	sld [smem:$0x3FB0]  }
0x2d: {  	s3 =	simm.s32 $0x108;
	s8 =	sld [smem:$0x3FB1]  }
0x2e: {  	s3 =	simm.s32 @!p0 $0x1082;
	s9 =	sld [smem:$0x3FB2]  }
0x2f: {  	lr =	sadd.s32 s0, s3;
	s0 =	sld [smem:$0x3FA9]  }
0x30: {  	s3 =	sld [smem:$0x3FAC]  }
0x31: {  	[smem:$0x3FB5] =	sst s10  }
0x32: {  	s10 =	sld [smem:$0x3FB3];
	_ =	sdelay $0x3  }
0x33: {  	p0 =	seq.s32 s10, $0x1;
	s10 =	sld [smem:$0x3FB5];
	_ =	sdelay $0x3  }
0x34: {  	[smem:$0x3FB5] =	sst s10  }
0x35: {  	s10 =	sld [smem:$0x3FB4];
	_ =	sdelay $0x3  }
0x36: {  	p1 =	seq.s32 s10, $0x1;
	s10 =	sld [smem:$0x3FB5];
	_ =	sdelay $0x3  }
0x37: {  	[smem:$0x3FB5] =	sst s10  }
0x38: {  	s10 =	sld [smem:$0x3FB6]  }
0x39: {  	_ = 	snop;
	(pc) =	sbr.ind lr, $3  }
0x3a: {  	_ = 	snop  }
0x3b: {  	_ = 	snop  }
0x3c: {  	p2 =	seq.s32 s10, $0x1;
	s10 =	sld [smem:$0x3FB5]  }
0x3d: {  	_ =	shalt  }
0x3e: {  	_ =	shalt  }
0x3f: {  	_ =	shalt  }
0x40: {  	_ =	shalt  }
0x41: {  	_ =	shalt  }
0x42: {  	_ =	shalt  }
0x43: {  	_ =	shalt  }
0x44: {  	_ =	shalt  }
0x45: {  	_ =	shalt  }
0x46: {  	_ =	shalt  }
0x47: {  	_ =	shalt  }
0x48: {  	_ =	shalt  }
0x49: {  	_ =	shalt  }
0x4a: {  	_ =	shalt  }
0x4b: {  	_ =	shalt  }
0x4c: {  	_ =	shalt  }
0x4d: {  	_ =	shalt  }
0x4e: {  	_ =	shalt  }
0x4f: {  	_ =	shalt  }
0x50: {  	_ =	shalt  }
0x51: {  	_ =	shalt  }
0x52: {  	_ =	shalt  }
0x53: {  	_ =	shalt  }
0x54: {  	_ =	shalt  }
0x55: {  	_ =	shalt  }
0x56: {  	_ =	shalt  }
0x57: {  	_ =	shalt  }
0x58: {  	_ =	shalt  }
0x59: {  	_ =	shalt  }
0x5a: {  	_ =	shalt  }
0x5b: {  	_ =	shalt  }
0x5c: {  	_ =	shalt  }
0x5d: {  	_ =	shalt  }
0x5e: {  	_ =	shalt  }
0x5f: {  	_ =	shalt  }
0x60: {  	_ =	shalt  }
0x61: {  	_ =	shalt  }
0x62: {  	_ =	shalt  }
0x63: {  	_ =	shalt  }
0x64: {  	_ =	shalt  }
0x65: {  	_ =	shalt  }
0x66: {  	_ =	shalt  }
0x67: {  	_ =	shalt  }
0x68: {  	_ =	shalt  }
0x69: {  	_ =	shalt  }
0x6a: {  	_ =	shalt  }
0x6b: {  	_ =	shalt  }
0x6c: {  	_ =	shalt  }
0x6d: {  	_ =	shalt  }
0x6e: {  	_ =	shalt  }
0x6f: {  	_ =	shalt  }
0x70: {  	_ =	shalt  }
0x71: {  	_ =	shalt  }
0x72: {  	_ =	shalt  }
0x73: {  	_ =	shalt  }
0x74: {  	_ =	shalt  }
0x75: {  	_ =	shalt  }
0x76: {  	_ =	shalt  }
0x77: {  	_ =	shalt  }
0x78: {  	_ =	shalt  }
0x79: {  	_ =	shalt  }
0x7a: {  	_ =	shalt  }
0x7b: {  	_ =	shalt  }
0x7c: {  	_ =	shalt  }
0x7d: {  	_ =	shalt  }
0x7e: {  	_ =	shalt  }
0x7f: {  	_ =	shalt  }
0x80: {  	_ =	shalt  }
0x81: {  	_ =	shalt  }
0x82: {  	_ =	shalt  }
0x83: {  	_ =	shalt  }
0x84: {  	_ =	shalt  }
0x85: {  	_ =	shalt  }
0x86: {  	_ =	shalt  }
0x87: {  	_ =	shalt  }
.Lfunc_end0:
.L_simem_size_0:
called_computation_lowered:
.L_overlay_start_0:
0x88: {  	s2 =	sld [smem:$0x3FD9]  }
0x89: {  	s3 =	sld [smem:$0x3FFE];
	_ =	sdelay $0x1  }
0x8a: {  	s1 =	srdreg.scid  }
0x8b: {  	s0 =	sand.u32 $0x1, s1  }
0x8c: {  	s16 =	sshll.u32 s0, $0xA;
	s2 =	sadd.s32 s3, s2  }
0x8d: {  	s2 =	sadd.s32 s2, s16  }
0x8e: {  	[smem:$0x3FC1] =	sst s2  }
0x8f: {  	_ = 	snop  }
0x90: {  	(tm) =	ssettm $0x1  }
0x91: {  	s17 =	sld [smem:$0x3FFB];
	_ =	sdelay $0x3  }
0x92: {  	_ =	strace s17  }
0x93: {  	s2 =	sld [smem:$0x3FFC];
	_ =	sdelay $0x3  }
0x94: {  	_ =	strace s2  }
0x95: {  	s2 =	sld [smem:$0x3FFD];
	_ =	sdelay $0x3  }
0x96: {  	_ =	strace s2  }
0x97: {  	_ =	strace $0x8FFFFFFF  }
0x98: {  	s18 =	sld [smem:$0x3FDB];
	_ =	sdelay $0x1  }
0x99: {  	s19 =	simm.s32 $_scs_section_size  }
0x9a: {  	s4 =	simm.s32 $_size__tile_overlayer_lowered;
	s5 =	simm.s32 $_tile_overlayer_lowered  }
0x9b: {  	s22 =	simm.s32 $0x1BFF;
	s21 =	sshll.u32 s5, $0x1;
	s2 =	sadd.s32 s19, s18  }
0x9c: {  	s6 =	simm.s32 $0x0;
	s20 =	sshll.u32 s4, $0x1;
	s4 =	sadd.s32 s21, s2  }
0x9d: {  	[timem:s6], [sflag:s22] =	dma.local [hbm:s4], s20  }
0x9e: {  	_ =	swait.ge [sflag:s22], s20  }
0x9f: {  	s3 =	ssub.s32 $0x0, s20;
	[sflag:s22] =	ssyncset.done $0x0  }
0xa0: {  	[sflag:s22] =	ssyncadd.s32 s3;
	_ =	sdelay $0x1  }
0xa1: {  	s23 =	simm.s32 $0x1B8B  }
0xa2: {  	_ =	swait.ge [sflag:s23], $0x1  }
0xa3: {  	[sflag:s23] =	ssyncset.done $0x0  }
0xa4: {  	s25 =	simm.s32 $0x1B8E;
	s24 =	sld [smem:$0x3FFE];
	[sflag:s23] =	ssyncadd.s32 $0xFFFFFFFF  }
0xa5: {  	s26 =	simm.s32 $execute0_lowered;
	[smem:$0x3FD2] =	sst s25  }
0xa6: {  	s4 =	sshll.u32 s26, $0x1;
	_ =	strace $0x80000046;
	[dreg:$0x1] =	wrdreg $0xFFFFFFFF  }
0xa7: {  	s28 =	simm.s32 $_size_execute0_lowered;
	s2 =	sadd.s32 s2, s4;
	[dreg:$0x0] =	wrdreg $0x0  }
0xa8: {  	s4 =	sshll.u32 s28, $0x1;
	[dreg:$0x2] =	wrdreg s2  }
0xa9: {  	[dreg:$0x3] =	wrdreg s4  }
0xaa: {  	[dreg:$0x4] =	wrdreg $0xC0  }
0xab: {  	_ =	task [dreg:s6], $0x5FFFF  }
0xac: {  	[dreg:$0x1] =	wrdreg $0xFFFFFFFF  }
0xad: {  	[dreg:$0x0] =	wrdreg $0x60  }
0xae: {  	[dreg:$0x2] =	wrdreg s24  }
0xaf: {  	[dreg:$0x3] =	wrdreg $0x9  }
0xb0: {  	_ =	task.clear_ibuf [dreg:s6], $0x4FFFF;
	_ =	strace $0x90000046  }
0xb1: {  	s29 =	simm.s32 $0x9;
	_ =	strace $0x80000048  }
0xb2: {  	_ =	swait.ge [sflag:s29], $0x1  }
0xb3: {  	[sflag:s29] =	ssyncadd.s32 $0xFFFFFFFF  }
0xb4: {  	_ =	strace $0x90000048  }
0xb5: {  	_ =	sfence  }
0xb6: {  	s30 =	sld [smem:$0x0];
	_ =	sdelay $0x2  }
0xb7: {  	s31 =	sshll.u32 s1, $0xD;
	s1 =	sshrl.u32 s1, $0x2  }
0xb8: {  	s3 =	sand.u32 $0x4000, s31;
	s1 =	sadd.s32 s1, s30  }
0xb9: {  	s0 =	sor.u32 s3, s0;
	s1 =	sshll.u32 s1, $0x11  }
0xba: {  	s0 =	sor.u32 s1, s0  }
0xbb: {  	s0 =	sadd.s32 $0x8F2B, s0  }
0xbc: {  	[sflag:s0] =	ssyncadd.remote.s32 $0x1  }
0xbd: {  	_ =	sfence.sel $0xFFFF  }
0xbe: {  	[dreg:$0x0] =	wrdreg $0xFFFFFFFF;
	(pc) =	sbr.abs _section_cstart, $3  }
0xbf: {  	[dreg:$0x1] =	wrdreg $0xFFFFFFFF  }
0xc0: {  	_ =	task.clear_ibuf [dreg:s6], $0x2FFFF;
	_ =	strace $0x9FFFFFFF  }
0xc1: {  	(tm) =	ssettm $0x7FFFFFFF  }
tec
execute0_lowered:
.L_overlay_start_1:
0x0: {  	(tag) =	ssettag $0x1  }
0x1: {  	s8 =	rddreg [dreg:$0x0]  }
0x2: {  	s1 =	simm.s32 $0x0;
	s5 =	srdreg.scid;
	s2 =	stileid.u32  }
0x3: {  	s12 =	simm.s32 $0x5;
	s13 =	simm.s32 $0x100;
	s14 =	simm.s32 $0x400  }
0x4: {  	s15 =	simm.s32 $0x200;
	s16 =	simm.s32 $0x6400;
	s17 =	simm.s32 $0x1  }
0x5: {  	s18 =	simm.s32 $0x3;
	s19 =	simm.s32 $0x6;
	s20 =	simm.s32 $0x2  }
0x6: {  	s21 =	simm.s32 $0x4;
	s22 =	simm.s32 $0x3400;
	s23 =	simm.s32 $0x0  }
0x7: {  	[smem:$0x7FF] =	sst s1;
	s3 =	sadd.s32 $0x10400, s8;
	s4 =	sadd.s32 $0x1800, s8  }
.Ltmp0:
0x8: {  	s7 =	sand.u32 $0x1, s5;
	s5 =	sadd.s32 $0x28E00, s8;
	(pc) =	sbr.rel .LBB2_1-.Ltmp0, $4  }
0x9: {  	s10 =	sshll.u32 s2, $0x1;
	s6 =	sadd.s32 $0x1F000, s8;
	s9 =	ssub.s32 $0x2, s7  }
0xa: {  	s8 =	sadd.s32 $0x32C00, s8;
	s7 =	sor.u32 s7, s10;
	s11 =	sshrl.u32 s9, $0x1  }
0xb: {  	_ =	strace $0x80000047;
	s10 =	sshll.u32 s7, $0x5;
	s11 =	ssub.s32 s9, s11  }
0xc: {  	s9 =	sadd.s32 s5, s10;
	s10 =	sadd.s32 s6, s10;
	s11 =	smax.u32 s11, $0x1  }
.LBB2_11:
0xd: {  	s23 =	sadd.s32 $0x1, s23  }
0xe: {  	p0 =	sne.s32 s23, s11  }
.Ltmp1:
0xf: {  	_ = 	snop;
	(pc) =	sbr.rel @!p0 .LBB2_12-.Ltmp1, $1  }
0x10: {  	_ =	sdelay $0x3  }
.LBB2_1:
0x11: {  	[tilespmem:s1], [sflag:$0x5] =	stream.linear.gather [hbm4b:s9+s1], $0x100, $0x38;
	[tilespmem:$0xC400] =	vst v63  }
0x12: {  	_ =	swait.ge [sflag:s12], $0x100  }
0x13: {  	[sflag:s12] =	ssyncset.done $0x0  }
0x14: {  	[sflag:s12] =	ssyncadd.s32 $0xFFFFFF00  }
0x15: {  	[tilespmem:s14], [sflag:$0x1] =	stream.indirect.gather [hbm4b:s3+s13], $0x30, s1, s13, $0xb8;
	[tilespmem:$0xC400] =	vst v63  }
0x16: {  	_ = 	snop  }
0x17: {  	[tilespmem:s15], [sflag:$0x5] =	stream.linear.gather [hbm4b:s10+s1], $0x100, $0x38;
	[tilespmem:$0xC400] =	vst v63  }
.Ltmp2:
0x18: {  	_ = 	snop;
	(pc) =	sbr.rel .LBB2_2-.Ltmp2, $4  }
0x19: {  	_ =	swait.ge [sflag:s12], $0x100  }
0x1a: {  	[sflag:s12] =	ssyncset.done $0x0  }
0x1b: {  	s24 =	simm.s32 $0x0;
	[sflag:s12] =	ssyncadd.s32 $0xFFFFFF00  }
0x1c: {  	[tilespmem:s16], [sflag:$0x3] =	stream.indirect.gather [hbm4b:s4+s13], $0x30, s15, s13, $0xb8;
	[tilespmem:$0xC400] =	vst v63  }
.LBB2_10:
0x1d: {  	s24 =	sadd.s32 $0x1, s24  }
0x1e: {  	p0 =	sne.s32 s24, $0x14  }
.Ltmp3:
0x1f: {  	_ = 	snop;
	(pc) =	sbr.rel @!p0 .LBB2_11-.Ltmp3, $1  }
0x20: {  	_ =	sdelay $0x3  }
.LBB2_2:
0x21: {  	s25 =	sshll.u32 s24, $0x6  }
0x22: {  	s26 =	sor.u32 s7, s25  }
0x23: {  	s25 =	sor.u32 $0x20, s26  }
0x24: {  	p0 =	sgt.u32 s25, $0x4E1  }
0x25: {  	s28 =	sshll.u32 @!p0 s25, $0x5  }
0x26: {  	s30 =	simm.s32 @!p0 $0x0;
	s31 =	simm.s32 @!p0 $0x100;
	s29 =	sadd.s32 @!p0 s5, s28  }
0x27: {  	[tilespmem:s31], [sflag:$0x6] =	stream.linear.gather @!p0 [hbm4b:s29+s30], $0x100, $0x38;
	[tilespmem:$0xC400] =	vst v63  }
0x28: {  	s29 =	simm.s32 @!p0 $0x6  }
0x29: {  	_ =	swait.ge @!p0 [sflag:s29], $0x100  }
0x2a: {  	[sflag:s29] =	ssyncset.done @!p0 $0x0  }
0x2b: {  	s0 =	simm.s32 @!p0 $0x3400;
	[sflag:s29] =	ssyncadd.s32 @!p0 $0xFFFFFF00  }
0x2c: {  	[tilespmem:s0], [sflag:$0x2] =	stream.indirect.gather @!p0 [hbm4b:s3+s31], $0x30, s31, s31, $0xb8;
	[tilespmem:$0xC400] =	vst v63  }
0x2d: {  	s0 =	sadd.s32 @!p0 s6, s28;
	s28 =	simm.s32 @!p0 $0x300  }
0x2e: {  	[tilespmem:s28], [sflag:$0x6] =	stream.linear.gather @!p0 [hbm4b:s0+s30], $0x100, $0x38;
	[tilespmem:$0xC400] =	vst v63  }
0x2f: {  	_ =	swait.ge @!p0 [sflag:s29], $0x100  }
0x30: {  	[sflag:s29] =	ssyncset.done @!p0 $0x0  }
0x31: {  	s0 =	simm.s32 @!p0 $0x9400;
	[sflag:s29] =	ssyncadd.s32 @!p0 $0xFFFFFF00  }
0x32: {  	[tilespmem:s0], [sflag:$0x4] =	stream.indirect.gather @!p0 [hbm4b:s4+s31], $0x30, s28, s31, $0xb8;
	[tilespmem:$0xC400] =	vst v63  }
0x33: {  	_ =	swait.ge [sflag:s17], $0x3000  }
0x34: {  	[sflag:s17] =	ssyncset.done $0x0  }
0x35: {  	[sflag:s17] =	ssyncadd.s32 $0xFFFFD000  }
0x36: {  	_ =	swait.ge [sflag:s18], $0x3000  }
0x37: {  	[sflag:s18] =	ssyncset.done $0x0  }
0x38: {  	s28 =	simm.s32 $0x0;
	[sflag:s18] =	ssyncadd.s32 $0xFFFFD000  }
0x39: {  	v1 =	vld [tilespmem:s28+$0x6400]  }
0x3a: {  	v2 =	vld [tilespmem:s28+$0x6410]  }
0x3b: {  	v0 =	vld [tilespmem:s28+$0x6420]  }
0x3c: {  	v3 =	vld [tilespmem:s28+$0x400]  }
0x3d: {  	s29 =	simm.s32 $0xC0;
	v4 =	vld [tilespmem:s28+$0x410]  }
.LBB2_3:
0x3e: {  	p1 =	sne.s32 s29, $0xBF40;
	v5 =	vld [tilespmem:s28+$0x420];
	_ =	sdelay $0x1  }
0x3f: {  	s0 =	sshra.s32 s29, $0x2  }
.Ltmp4:
0x40: {  	v3 =	vadd.f32 v1, v3;
	v1 =	vld [tilespmem:s0+$0x6400];
	(pc) =	sbr.rel @p1 .LBB2_3-.Ltmp4, $4  }
0x41: {  	v4 =	vadd.f32 v2, v4;
	v2 =	vld [tilespmem:s0+$0x6410]  }
0x42: {  	[tilespmem:s28+$0x400] =	vst v3;
	v5 =	vadd.f32 v0, v5;
	v0 =	vld [tilespmem:s0+$0x6420]  }
0x43: {  	v3 =	vld [tilespmem:s0+$0x400];
	[tilespmem:s28+$0x410] =	vst v4  }
0x44: {  	s29 =	sadd.s32 $0xC0, s29;
	v4 =	vld [tilespmem:s0+$0x410];
	[tilespmem:s28+$0x420] =	vst v5;
	s28 =	smov.u32 s0  }
0x45: {  	v5 =	vld [tilespmem:s28+$0x420];
	_ =	sdelay $0x2  }
0x46: {  	v1 =	vadd.f32 v1, v3  }
0x47: {  	v2 =	vadd.f32 v2, v4  }
0x48: {  	s0 =	smul.u32 $0x600, s26;
	[tilespmem:s28+$0x400] =	vst v1;
	v0 =	vadd.f32 v0, v5  }
0x49: {  	p1 =	sgt.u32 s26, $0x4A1;
	[tilespmem:s28+$0x410] =	vst v2  }
.Ltmp5:
0x4a: {  	s0 =	sadd.s32 s8, s0;
	[tilespmem:s28+$0x420] =	vst v0;
	(pc) =	sbr.rel @p1 .LBB2_6-.Ltmp5, $4  }
0x4b: {  	[hbm4b:s0+s1] =	stream.linear.scatter [tilespmem:s14], [sflag:$0x6], $0x3000, $0x38;
	[tilespmem:$0xC400] =	vst v63  }
0x4c: {  	_ =	swait.ge [sflag:s19], $0x3000  }
0x4d: {  	[sflag:s19] =	ssyncset.done $0x0  }
0x4e: {  	[sflag:s19] =	ssyncadd.s32 $0xFFFFD000  }
0x4f: {  	s0 =	sshll.u32 s26, $0x5  }
0x50: {  	s0 =	sadd.s32 $0x800, s0  }
0x51: {  	s31 =	sadd.s32 s5, s0  }
0x52: {  	[tilespmem:s1], [sflag:$0x6] =	stream.linear.gather [hbm4b:s31+s1], $0x100, $0x38;
	[tilespmem:$0xC400] =	vst v63  }
0x53: {  	_ =	swait.ge [sflag:s19], $0x100  }
0x54: {  	[sflag:s19] =	ssyncset.done $0x0  }
0x55: {  	[sflag:s19] =	ssyncadd.s32 $0xFFFFFF00  }
0x56: {  	[tilespmem:s14], [sflag:$0x1] =	stream.indirect.gather [hbm4b:s3+s13], $0x30, s1, s13, $0xb8;
	[tilespmem:$0xC400] =	vst v63  }
0x57: {  	s0 =	sadd.s32 s6, s0  }
0x58: {  	[tilespmem:s15], [sflag:$0x6] =	stream.linear.gather [hbm4b:s0+s1], $0x100, $0x38;
	[tilespmem:$0xC400] =	vst v63  }
.Ltmp6:
0x59: {  	_ = 	snop;
	(pc) =	sbr.rel .LBB2_7-.Ltmp6, $4  }
0x5a: {  	_ =	swait.ge [sflag:s19], $0x100  }
0x5b: {  	[sflag:s19] =	ssyncset.done $0x0  }
0x5c: {  	[sflag:s19] =	ssyncadd.s32 $0xFFFFFF00  }
0x5d: {  	[tilespmem:s16], [sflag:$0x3] =	stream.indirect.gather [hbm4b:s4+s13], $0x30, s15, s13, $0xb8;
	[tilespmem:$0xC400] =	vst v63  }
.LBB2_6:
.Ltmp7:
0x5e: {  	(pc) =	sbr.rel @p0 .LBB2_10-.Ltmp7, $1  }
0x5f: {  	_ =	sdelay $0x3  }
.LBB2_7:
0x60: {  	_ =	swait.ge [sflag:s20], $0x3000  }
0x61: {  	[sflag:s20] =	ssyncset.done $0x0  }
0x62: {  	[sflag:s20] =	ssyncadd.s32 $0xFFFFD000  }
0x63: {  	_ =	swait.ge [sflag:s21], $0x3000  }
0x64: {  	[sflag:s21] =	ssyncset.done $0x0  }
0x65: {  	s26 =	simm.s32 $0x0;
	[sflag:s21] =	ssyncadd.s32 $0xFFFFD000  }
0x66: {  	v1 =	vld [tilespmem:s26+$0x9400]  }
0x67: {  	v2 =	vld [tilespmem:s26+$0x9410]  }
0x68: {  	v0 =	vld [tilespmem:s26+$0x9420]  }
0x69: {  	v3 =	vld [tilespmem:s26+$0x3400]  }
0x6a: {  	s28 =	simm.s32 $0xC0;
	v4 =	vld [tilespmem:s26+$0x3410]  }
.LBB2_8:
0x6b: {  	p0 =	sne.s32 s28, $0xBF40;
	v5 =	vld [tilespmem:s26+$0x3420];
	_ =	sdelay $0x1  }
0x6c: {  	s0 =	sshra.s32 s28, $0x2  }
.Ltmp8:
0x6d: {  	v3 =	vadd.f32 v1, v3;
	v1 =	vld [tilespmem:s0+$0x9400];
	(pc) =	sbr.rel @p0 .LBB2_8-.Ltmp8, $4  }
0x6e: {  	v4 =	vadd.f32 v2, v4;
	v2 =	vld [tilespmem:s0+$0x9410]  }
0x6f: {  	[tilespmem:s26+$0x3400] =	vst v3;
	v5 =	vadd.f32 v0, v5;
	v0 =	vld [tilespmem:s0+$0x9420]  }
0x70: {  	v3 =	vld [tilespmem:s0+$0x3400];
	[tilespmem:s26+$0x3410] =	vst v4  }
0x71: {  	s28 =	sadd.s32 $0xC0, s28;
	v4 =	vld [tilespmem:s0+$0x3410];
	[tilespmem:s26+$0x3420] =	vst v5;
	s26 =	smov.u32 s0  }
0x72: {  	v5 =	vld [tilespmem:s26+$0x3420];
	_ =	sdelay $0x2  }
0x73: {  	v1 =	vadd.f32 v1, v3  }
0x74: {  	v2 =	vadd.f32 v2, v4  }
0x75: {  	s0 =	smul.u32 $0x600, s25;
	[tilespmem:s26+$0x3400] =	vst v1;
	v0 =	vadd.f32 v0, v5  }
0x76: {  	[tilespmem:s26+$0x3410] =	vst v2  }
.Ltmp9:
0x77: {  	s0 =	sadd.s32 s8, s0;
	[tilespmem:s26+$0x3420] =	vst v0;
	(pc) =	sbr.rel .LBB2_10-.Ltmp9, $4  }
0x78: {  	[hbm4b:s0+s1] =	stream.linear.scatter [tilespmem:s22], [sflag:$0x5], $0x3000, $0x38;
	[tilespmem:$0xC400] =	vst v63  }
0x79: {  	_ =	swait.ge [sflag:s12], $0x3000  }
0x7a: {  	[sflag:s12] =	ssyncset.done $0x0  }
0x7b: {  	[sflag:s12] =	ssyncadd.s32 $0xFFFFD000  }
.LBB2_12:
0x7c: {  	_ =	sfence.sel $0x180000  }
0x7d: {  	[bflag:$0x0] =	sbarrier.arrive $0xFFFF  }
0x7e: {  	_ =	strace $0x90000047  }
0x7f: {  	[bflag:$0x2] =	sbarrier.arrive $0xFFFF  }
0x80: {  	p0 =	sne.s32 s2, $0x0;
	s0 =	rddreg [dreg:$0x1]  }
0x81: {  	s0 =	sadd.s32 @!p0 $0x100000, s0  }
0x82: {  	[sflag:s0] =	ssyncadd.tile.s32 @!p0 $0x1;
	_ =	shalt  }
.Lfunc_end2:
_tile_overlayer_lowered:
.L_overlay_start_2:
0x83: {  	(tag) =	ssettag $0x2  }
0x84: {  	s0 =	rddreg [dreg:$0x0];
	s2 =	stileid.u32  }
0x85: {  	s1 =	rddreg [dreg:$0x1];
	p0 =	sne.s32 s2, $0x0  }
0x86: {  	s3 =	rddreg [dreg:$0x2];
	[bflag:$0x3] =	sbarrier.arrive $0xFFFF;
	s2 =	simm.s32 @!p0 $0x1C05  }
0x87: {  	[timem:s3], [sflag:s2] =	dma.local @!p0 [hbm:s0], s1  }
0x88: {  	s0 =	simm.s32 @!p0 $0x5  }
0x89: {  	_ =	swait.ge @!p0 [sflag:s0], s1  }
0x8a: {  	s1 =	ssub.s32 @!p0 $0x0, s1;
	[sflag:s0] =	ssyncset.done @!p0 $0x0  }
0x8b: {  	[sflag:s0] =	ssyncadd.s32 @!p0 s1  }
0x8c: {  	[bflag:$0x3] =	sbarrier.arrive $0xFFFF  }
0x8d: {  	_ =	shalt  }

</sc_bundles>
